<compile_context>
chip_gen: v7x
topology: tpu7x:2x2x1
jax: 0.10.2.dev20260603
libtpu: 0.0.44.dev20260713+nightly
codegen_flags: <defaults>
</compile_context>

<pallas_src>
import functools

import jax
import jax.numpy as jnp
from jax import lax
from jax.experimental import pallas as pl
from jax.experimental.pallas import tpu as pltpu
from jax.experimental.pallas import tpu_sc as plsc

BATCH = 32
NOBJ = 128
GRID = 128
NCH = 84
CC = 3
NCHUNK = NCH // CC
NLANE = 16
FARIDX = 1 << 27


def kernel(objects):
    obj_t = objects.reshape(BATCH, 6 * NOBJ)

    mesh = plsc.VectorSubcoreMesh(core_axis_name="c", subcore_axis_name="s")

    @functools.partial(
        pl.kernel,
        out_type=jax.ShapeDtypeStruct((BATCH, NCH, GRID, GRID), jnp.float32),
        mesh=mesh,
        compiler_params=pltpu.CompilerParams(needs_layout_passes=False),
        scratch_types=[
            pltpu.VMEM((6 * NOBJ,), jnp.float32),
            pltpu.VMEM((NOBJ * NLANE,), jnp.int32),
            pltpu.VMEM((NOBJ * NLANE,), jnp.float32),
            pltpu.VMEM((NOBJ * NLANE,), jnp.int32),
            pltpu.VMEM((NOBJ * NLANE,), jnp.float32),
            pltpu.VMEM((NCHUNK * NOBJ,), jnp.int32),
            pltpu.VMEM((32,), jnp.int32),
            pltpu.VMEM((CC, GRID, GRID), jnp.float32),
            pltpu.VMEM((CC, GRID, GRID), jnp.float32),
            pltpu.SemaphoreType.DMA,
            pltpu.SemaphoreType.DMA,
        ],
    )
    def scatter_kernel(obj_hbm, out_hbm, obj_v, gi_v, gv_v, ri_v, rv_v,
                       bkt_v, cnt_v, buf_a, buf_b, sem_a, sem_b):
        b = lax.axis_index("c") * 16 + lax.axis_index("s")
        pltpu.sync_copy(obj_hbm.at[b], obj_v)

        lane = lax.iota(jnp.int32, 16)
        is_tap = lane < 9
        is_reg = (lane >= 9) & (lane < 13)
        third = jnp.where(lane >= 3, 1, 0) + jnp.where(lane >= 6, 1, 0)
        dy = jnp.where(is_tap, third - 1, 0)
        dx = jnp.where(is_tap, lane - 3 * third - 1, 0)
        w_tap = jnp.exp(-1.125 * (dy * dy + dx * dx).astype(jnp.float32))
        reg_ch = 80 + (lane - 9)
        zeros_f = jnp.zeros((NLANE,), jnp.float32)
        lane0 = lane == 0

        cnt_v[pl.ds(0, NLANE)] = jnp.zeros((NLANE,), jnp.int32)
        cnt_v[pl.ds(NLANE, NLANE)] = jnp.zeros((NLANE,), jnp.int32)

        def build(n, carry):
            nv = jnp.full((NLANE,), n, jnp.int32)
            n6 = nv * 6
            y = plsc.load_gather(obj_v, [n6])
            x = plsc.load_gather(obj_v, [n6 + 1])
            hh = plsc.load_gather(obj_v, [n6 + 2])
            ww = plsc.load_gather(obj_v, [n6 + 3])
            cl = plsc.load_gather(obj_v, [n6 + 4])
            cf = plsc.load_gather(obj_v, [n6 + 5])
            yi = y.astype(jnp.int32)
            xi = x.astype(jnp.int32)
            ci = cl.astype(jnp.int32)
            oy = y - yi.astype(jnp.float32)
            ox = x - xi.astype(jnp.float32)
            ch = jnp.where(is_tap, ci, reg_ch)
            yy = yi + dy
            xx = xi + dx
            real = cf == 1.0
            inb = (yy >= 0) & (yy < GRID) & (xx >= 0) & (xx < GRID)
            m = real & inb
            idx = (ch << 14) + (yy << 7) + xx
            gi_v[pl.ds(n * NLANE, NLANE)] = jnp.where(
                m & is_tap, idx, FARIDX)
            gv_v[pl.ds(n * NLANE, NLANE)] = w_tap
            ri_v[pl.ds(n * NLANE, NLANE)] = jnp.where(
                m & is_reg, idx, FARIDX)
            val = jnp.where(lane == 9, oy, 0.0)
            val = jnp.where(lane == 10, ox, val)
            val = jnp.where(lane == 11, hh, val)
            val = jnp.where(lane == 12, ww, val)
            rv_v[pl.ds(n * NLANE, NLANE)] = val
            cid = (ci * 21846) >> 16
            cnt = plsc.load_gather(cnt_v, [cid])
            mask0 = lane0 & real
            plsc.store_scatter(bkt_v, [cid * NOBJ + cnt], nv, mask=mask0)
            plsc.store_scatter(cnt_v, [cid], cnt + 1, mask=mask0)
            return carry

        lax.fori_loop(0, NOBJ, build, 0)

        def zero_bufs(yrow, carry):
            for c in range(CC):
                for xb in range(GRID // NLANE):
                    buf_a[c, yrow, pl.ds(xb * NLANE, NLANE)] = zeros_f
                    buf_b[c, yrow, pl.ds(xb * NLANE, NLANE)] = zeros_f
            return carry

        lax.fori_loop(0, GRID, zero_bufs, 0)

        def gauss_scan(buf, k, add):
            kv = jnp.full((NLANE,), k, jnp.int32)
            cntk = jnp.max(plsc.load_gather(cnt_v, [kv]))
            c0 = k * CC

            def gbody(j, carry):
                nvec = plsc.load_gather(bkt_v, [kv * NOBJ + j])
                iv = plsc.load_gather(gi_v, [nvec * NLANE + lane])
                cv = (iv >> 14) - c0
                yv = (iv >> 7) & (GRID - 1)
                xv = iv & (GRID - 1)
                m = (cv >= 0) & (cv < CC)
                if add:
                    vv = plsc.load_gather(gv_v, [nvec * NLANE + lane])
                    plsc.addupdate_scatter(buf, [cv, yv, xv], vv, mask=m)
                else:
                    plsc.store_scatter(buf, [cv, yv, xv], zeros_f, mask=m)
                return carry

            lax.fori_loop(0, cntk, gbody, 0)

        def reg_scan(buf, c0, add):
            def rbody(n, carry):
                for t in range(4):
                    base = (n * 4 + t) * NLANE
                    iv = ri_v[pl.ds(base, NLANE)]
                    cv = (iv >> 14) - c0
                    yv = (iv >> 7) & (GRID - 1)
                    xv = iv & (GRID - 1)
                    m = (cv >= 0) & (cv < CC)
                    if add:
                        vv = rv_v[pl.ds(base, NLANE)]
                        plsc.addupdate_scatter(buf, [cv, yv, xv], vv, mask=m)
                    else:
                        plsc.store_scatter(buf, [cv, yv, xv], zeros_f, mask=m)
                return carry

            lax.fori_loop(0, NOBJ // 4, rbody, 0)

        def out_chunk(k):
            return out_hbm.at[b, pl.ds(k * CC, CC)]

        def pair(i, carry):
            k0 = 2 * i

            @pl.when(i > 0)
            def _():
                pltpu.make_async_copy(buf_a, out_chunk(k0 - 2), sem_a).wait()
                gauss_scan(buf_a, k0 - 2, add=False)

            gauss_scan(buf_a, k0, add=True)

            @pl.when(k0 == NCHUNK - 2)
            def _():
                reg_scan(buf_a, (NCHUNK - 2) * CC, add=True)

            pltpu.make_async_copy(buf_a, out_chunk(k0), sem_a).start()

            @pl.when(i > 0)
            def _():
                pltpu.make_async_copy(buf_b, out_chunk(k0 - 1), sem_b).wait()
                gauss_scan(buf_b, k0 - 1, add=False)

            gauss_scan(buf_b, k0 + 1, add=True)

            @pl.when(k0 == NCHUNK - 2)
            def _():
                reg_scan(buf_b, (NCHUNK - 1) * CC, add=True)

            pltpu.make_async_copy(buf_b, out_chunk(k0 + 1), sem_b).start()
            return carry

        lax.fori_loop(0, NCHUNK // 2, pair, 0)
        pltpu.make_async_copy(buf_a, out_chunk(NCHUNK - 2), sem_a).wait()
        pltpu.make_async_copy(buf_b, out_chunk(NCHUNK - 1), sem_b).wait()

    return scatter_kernel(obj_t)

# --- scband reference (transcript-rebuilt; emitter-appended) ---
"""Pipeline reference for scband-objects-to-points-1511828488714 (READ-ONLY COPY).

The authoritative reference and input builder live on the scoring server;
editing this copy changes nothing except your own understanding.
"""

import jax, jax.numpy as jnp
import numpy as np

B, N = 32, 128
HW = 128
C = 80
KSIZE = 3


def _gaussian_2d(kernel_size):
    k = kernel_size // 2
    sigma = (k + 1) / 3.0
    x = jnp.arange(kernel_size, dtype=jnp.float32) - k
    g1 = jnp.exp(-x ** 2 / (2.0 * sigma ** 2))
    g2 = g1[None, :] * g1[:, None]
    return g2 / g2.max()


def setup_inputs(seed: int = 0) -> dict:
    key = jax.random.key(seed)
    k1, k2, k3, k4 = jax.random.split(key, 4)
    # y, x locations in [0, HW)
    yx = jax.random.uniform(k1, (B, N, 2), minval=0.0, maxval=HW - 1e-3)
    # object sizes in pixels
    hw_sizes = jax.random.uniform(k2, (B, N, 2), minval=1.0, maxval=32.0)
    # class ids stored as float (as in the torch module)
    cls = jax.random.randint(k3, (B, N, 1), 0, C).astype(jnp.float32)
    # confidence is exactly 1.0 for real objects, 0.0 for padding
    conf = (jax.random.uniform(k4, (B, N, 1)) < 0.8).astype(jnp.float32)
    objects = jnp.concatenate([yx, hw_sizes, cls, conf], axis=-1)
    return {"objects": objects}


def reference(objects):
    b, n, d6 = objects.shape
    heat = jnp.zeros((b, C + 4, HW, HW), dtype=jnp.float32)
    batch_idx = jnp.repeat(jnp.arange(b), n)
    y_idx = objects[:, :, 0].reshape(-1).astype(jnp.int32)
    x_idx = objects[:, :, 1].reshape(-1).astype(jnp.int32)
    cls_idx = objects[:, :, 4].reshape(-1).astype(jnp.int32)
    conf = objects[:, :, 5].reshape(-1)
    is_real = (conf == 1.0).astype(jnp.float32)
    # scatter-add one-hot class centers (index_put_ accumulate=True)
    heat = heat.at[batch_idx, cls_idx, y_idx, x_idx].add(is_real)
    # depthwise gaussian smoothing (conv2d groups=C+4, padding same)
    kern = _gaussian_2d(KSIZE)
    w = jnp.broadcast_to(kern[None, None, :, :], (C + 4, 1, KSIZE, KSIZE))
    heat = jax.lax.conv_general_dilated(
        heat, w, window_strides=(1, 1), padding='SAME',
        feature_group_count=C + 4,
        dimension_numbers=('NCHW', 'OIHW', 'NCHW'))
    # offsets
    dy = (objects[:, :, 0] - jnp.floor(objects[:, :, 0])).reshape(-1)
    dx = (objects[:, :, 1] - jnp.floor(objects[:, :, 1])).reshape(-1)
    # sizes
    hy = objects[:, :, 2].reshape(-1)
    wx = objects[:, :, 3].reshape(-1)
    ch = jnp.full_like(batch_idx, C)
    heat = heat.at[batch_idx, ch, y_idx, x_idx].add(is_real * dy)
    heat = heat.at[batch_idx, ch + 1, y_idx, x_idx].add(is_real * dx)
    heat = heat.at[batch_idx, ch + 2, y_idx, x_idx].add(is_real * hy)
    heat = heat.at[batch_idx, ch + 3, y_idx, x_idx].add(is_real * wx)
    return heat

if __name__ == "__main__":
    import jax
    _d = setup_inputs()
    print(jax.jit(kernel)(*tuple(_d.values())))

</pallas_src>

<mosaic_0001>
#map = affine_map<(d0, d1) -> (0, 0)>
#map1 = affine_map<(d0, d1) -> (0, 0, 0, 0)>
module attributes {stable_mosaic.version = 14 : i64} {
  func.func @scatter_kernel(%arg0: i32, %arg1: i32, %arg2: memref<32x768xf32, #tpu.memory_space<hbm>>, %arg3: memref<32x84x128x128xf32, #tpu.memory_space<hbm>>, %arg4: memref<768xf32, #tpu.memory_space<vmem>>, %arg5: memref<2048xi32, #tpu.memory_space<vmem>>, %arg6: memref<2048xf32, #tpu.memory_space<vmem>>, %arg7: memref<2048xi32, #tpu.memory_space<vmem>>, %arg8: memref<2048xf32, #tpu.memory_space<vmem>>, %arg9: memref<3584xi32, #tpu.memory_space<vmem>>, %arg10: memref<32xi32, #tpu.memory_space<vmem>>, %arg11: memref<3x128x128xf32, #tpu.memory_space<vmem>>, %arg12: memref<3x128x128xf32, #tpu.memory_space<vmem>>, %arg13: memref<!tpu.dma_semaphore, #tpu.memory_space<semaphore_mem>>, %arg14: memref<!tpu.dma_semaphore, #tpu.memory_space<semaphore_mem>>) attributes {dimension_semantics = [#tpu.dimension_semantics<core_parallel>, #tpu.dimension_semantics<subcore_parallel>], iteration_bounds = array<i64: 2, 16>, scalar_prefetch = 0 : i64, scratch_operands = 11 : i64, tpu.core_type = #tpu.core_type<sc_vector_subcore>, window_params = [{transform_indices = #map}, {transform_indices = #map1}]} {
    %mul3A = arith.constant 16 : i32
    %mul3A_0 = arith.muli %arg0, %mul3A : i32
    %add3A = arith.addi %mul3A_0, %arg1 : i32
    "tpu.region"() ({
      %run_scoped3A = tpu.sem_alloc : memref<!tpu.dma_semaphore, #tpu.memory_space<semaphore_mem>>
      %dma_start3A = arith.constant 0 : i32
      %dma_start3A_96 = tpu.memref_slice %arg2[%add3A, %dma_start3A] : memref<32x768xf32, #tpu.memory_space<hbm>> -> memref<1x768xf32, #tpu.memory_space<hbm>>
      %dma_start3A_97 = tpu.memref_squeeze %dma_start3A_96 : memref<1x768xf32, #tpu.memory_space<hbm>> -> memref<768xf32, #tpu.memory_space<hbm>>
      %dma_start3A_98 = arith.constant 0 : i32
      %dma_start3A_99 = tpu.memref_slice %arg2[%add3A, %dma_start3A_98] : memref<32x768xf32, #tpu.memory_space<hbm>> -> memref<1x768xf32, #tpu.memory_space<hbm>>
      %dma_start3A_100 = tpu.memref_squeeze %dma_start3A_99 : memref<1x768xf32, #tpu.memory_space<hbm>> -> memref<768xf32, #tpu.memory_space<hbm>>
      tpu.enqueue_dma source(%dma_start3A_100 : memref<768xf32, #tpu.memory_space<hbm>>) target(%arg4 : memref<768xf32, #tpu.memory_space<vmem>>) target_semaphore(%run_scoped3A : memref<!tpu.dma_semaphore, #tpu.memory_space<semaphore_mem>>)
      %dma_wait3A_101 = arith.constant 0 : i32
      %dma_wait3A_102 = tpu.memref_slice %arg2[%add3A, %dma_wait3A_101] : memref<32x768xf32, #tpu.memory_space<hbm>> -> memref<1x768xf32, #tpu.memory_space<hbm>>
      %dma_wait3A_103 = tpu.memref_squeeze %dma_wait3A_102 : memref<1x768xf32, #tpu.memory_space<hbm>> -> memref<768xf32, #tpu.memory_space<hbm>>
      %dma_wait3A_104 = arith.constant 0 : i32
      %dma_wait3A_105 = tpu.memref_slice %arg2[%add3A, %dma_wait3A_104] : memref<32x768xf32, #tpu.memory_space<hbm>> -> memref<1x768xf32, #tpu.memory_space<hbm>>
      %dma_wait3A_106 = tpu.memref_squeeze %dma_wait3A_105 : memref<1x768xf32, #tpu.memory_space<hbm>> -> memref<768xf32, #tpu.memory_space<hbm>>
      tpu.wait_dma2 semaphore(%run_scoped3A : memref<!tpu.dma_semaphore, #tpu.memory_space<semaphore_mem>>) src(%dma_wait3A_106 : memref<768xf32, #tpu.memory_space<hbm>>) dst(%arg4 : memref<768xf32, #tpu.memory_space<vmem>>)
      tpu.yield
    }) : () -> ()
    %iota3A = tpu.iota {dimensions = array<i32: 0>} : vector<16xi32>
    %lt3A = arith.constant 9 : i32
    %lt3A_1 = vector.broadcast %lt3A : i32 to vector<16xi32>
    %lt3A_2 = arith.cmpi slt, %iota3A, %lt3A_1 : vector<16xi32>
    %ge3A = arith.constant 9 : i32
    %ge3A_3 = vector.broadcast %ge3A : i32 to vector<16xi32>
    %ge3A_4 = arith.cmpi sge, %iota3A, %ge3A_3 : vector<16xi32>
    %lt3A_5 = arith.constant 13 : i32
    %lt3A_6 = vector.broadcast %lt3A_5 : i32 to vector<16xi32>
    %lt3A_7 = arith.cmpi slt, %iota3A, %lt3A_6 : vector<16xi32>
    %and3A = arith.andi %ge3A_4, %lt3A_7 : vector<16xi1>
    %ge3A_8 = arith.constant 3 : i32
    %ge3A_9 = vector.broadcast %ge3A_8 : i32 to vector<16xi32>
    %ge3A_10 = arith.cmpi sge, %iota3A, %ge3A_9 : vector<16xi32>
    %jit3A = arith.constant 1 : i32
    %jit3A_11 = arith.constant 0 : i32
    %broadcast_in_dim3A = vector.broadcast %jit3A : i32 to vector<16xi32>
    %broadcast_in_dim3A_12 = vector.broadcast %jit3A_11 : i32 to vector<16xi32>
    %select_n3A = arith.select %ge3A_10, %broadcast_in_dim3A, %broadcast_in_dim3A_12 : vector<16xi1>, vector<16xi32>
    %ge3A_13 = arith.constant 6 : i32
    %ge3A_14 = vector.broadcast %ge3A_13 : i32 to vector<16xi32>
    %ge3A_15 = arith.cmpi sge, %iota3A, %ge3A_14 : vector<16xi32>
    %jit3A_16 = arith.constant 1 : i32
    %jit3A_17 = arith.constant 0 : i32
    %broadcast_in_dim3A_18 = vector.broadcast %jit3A_16 : i32 to vector<16xi32>
    %broadcast_in_dim3A_19 = vector.broadcast %jit3A_17 : i32 to vector<16xi32>
    %select_n3A_20 = arith.select %ge3A_15, %broadcast_in_dim3A_18, %broadcast_in_dim3A_19 : vector<16xi1>, vector<16xi32>
    %add3A_21 = arith.addi %select_n3A, %select_n3A_20 : vector<16xi32>
    %sub3A = arith.constant 1 : i32
    %sub3A_22 = vector.broadcast %sub3A : i32 to vector<16xi32>
    %sub3A_23 = arith.subi %add3A_21, %sub3A_22 : vector<16xi32>
    %jit3A_24 = arith.constant 0 : i32
    %broadcast_in_dim3A_25 = vector.broadcast %jit3A_24 : i32 to vector<16xi32>
    %select_n3A_26 = arith.select %lt3A_2, %sub3A_23, %broadcast_in_dim3A_25 : vector<16xi1>, vector<16xi32>
    %mul3A_27 = arith.constant 3 : i32
    %mul3A_28 = vector.broadcast %mul3A_27 : i32 to vector<16xi32>
    %mul3A_29 = arith.muli %mul3A_28, %add3A_21 : vector<16xi32>
    %sub3A_30 = arith.subi %iota3A, %mul3A_29 : vector<16xi32>
    %sub3A_31 = arith.constant 1 : i32
    %sub3A_32 = vector.broadcast %sub3A_31 : i32 to vector<16xi32>
    %sub3A_33 = arith.subi %sub3A_30, %sub3A_32 : vector<16xi32>
    %jit3A_34 = arith.constant 0 : i32
    %broadcast_in_dim3A_35 = vector.broadcast %jit3A_34 : i32 to vector<16xi32>
    %select_n3A_36 = arith.select %lt3A_2, %sub3A_33, %broadcast_in_dim3A_35 : vector<16xi1>, vector<16xi32>
    %mul3A_37 = arith.muli %select_n3A_26, %select_n3A_26 : vector<16xi32>
    %mul3A_38 = arith.muli %select_n3A_36, %select_n3A_36 : vector<16xi32>
    %add3A_39 = arith.addi %mul3A_37, %mul3A_38 : vector<16xi32>
    %convert_element_type3A = arith.sitofp %add3A_39 : vector<16xi32> to vector<16xf32>
    %mul3A_40 = arith.constant -1.125000e+00 : f32
    %mul3A_41 = vector.broadcast %mul3A_40 : f32 to vector<16xf32>
    %mul3A_42 = arith.mulf %mul3A_41, %convert_element_type3A : vector<16xf32>
    %exp3A = math.exp %mul3A_42 : vector<16xf32>
    %sub3A_43 = arith.constant 9 : i32
    %sub3A_44 = vector.broadcast %sub3A_43 : i32 to vector<16xi32>
    %sub3A_45 = arith.subi %iota3A, %sub3A_44 : vector<16xi32>
    %add3A_46 = arith.constant 80 : i32
    %add3A_47 = vector.broadcast %add3A_46 : i32 to vector<16xi32>
    %add3A_48 = arith.addi %add3A_47, %sub3A_45 : vector<16xi32>
    %broadcast_in_dim3A_49 = arith.constant 0.000000e+00 : f32
    %broadcast_in_dim3A_50 = vector.broadcast %broadcast_in_dim3A_49 : f32 to vector<16xf32>
    %eq3A = arith.constant 0 : i32
    %eq3A_51 = vector.broadcast %eq3A : i32 to vector<16xi32>
    %eq3A_52 = arith.cmpi eq, %iota3A, %eq3A_51 : vector<16xi32>
    %broadcast_in_dim3A_53 = arith.constant 0 : i32
    %broadcast_in_dim3A_54 = vector.broadcast %broadcast_in_dim3A_53 : i32 to vector<16xi32>
    %swap3A = arith.constant 0 : index
    %swap3A_55 = tpu.vector_load %arg10[%swap3A] {strides = array<i32>} : memref<32xi32, #tpu.memory_space<vmem>>, vector<16xi32>,
    tpu.vector_store %arg10[%swap3A], %broadcast_in_dim3A_54 {strides = array<i32>} : memref<32xi32, #tpu.memory_space<vmem>>, vector<16xi32>,
    %broadcast_in_dim3A_56 = arith.constant 0 : i32
    %broadcast_in_dim3A_57 = vector.broadcast %broadcast_in_dim3A_56 : i32 to vector<16xi32>
    %swap3A_58 = arith.constant 16 : index
    %swap3A_59 = tpu.vector_load %arg10[%swap3A_58] {strides = array<i32>} : memref<32xi32, #tpu.memory_space<vmem>>, vector<16xi32>,
    tpu.vector_store %arg10[%swap3A_58], %broadcast_in_dim3A_57 {strides = array<i32>} : memref<32xi32, #tpu.memory_space<vmem>>, vector<16xi32>,
    %scan3A = arith.constant 0 : i32
    %scan3A_60 = arith.constant 0 : i32
    %scan3A_61 = arith.constant 128 : i32
    %scan3A_62 = arith.addi %scan3A_60, %scan3A_61 : i32
    %scan3A_63 = arith.constant 1 : i32
    scf.for %scan3A_96 = %scan3A_60 to %scan3A_62 step %scan3A_63  : i32 {
      %broadcast_in_dim3A_97 = vector.broadcast %scan3A_96 : i32 to vector<16xi32>
      %mul3A_98 = arith.constant 6 : i32
      %mul3A_99 = vector.broadcast %mul3A_98 : i32 to vector<16xi32>
      %mul3A_100 = arith.muli %broadcast_in_dim3A_97, %mul3A_99 : vector<16xi32>
      %gather3A = tpu.vector_load_idx %arg4[%mul3A_100] : memref<768xf32, #tpu.memory_space<vmem>>[vector<16xi32>], vector<16xf32>,
      %add3A_101 = arith.constant 1 : i32
      %add3A_102 = vector.broadcast %add3A_101 : i32 to vector<16xi32>
      %add3A_103 = arith.addi %mul3A_100, %add3A_102 : vector<16xi32>
      %gather3A_104 = tpu.vector_load_idx %arg4[%add3A_103] : memref<768xf32, #tpu.memory_space<vmem>>[vector<16xi32>], vector<16xf32>,
      %add3A_105 = arith.constant 2 : i32
      %add3A_106 = vector.broadcast %add3A_105 : i32 to vector<16xi32>
      %add3A_107 = arith.addi %mul3A_100, %add3A_106 : vector<16xi32>
      %gather3A_108 = tpu.vector_load_idx %arg4[%add3A_107] : memref<768xf32, #tpu.memory_space<vmem>>[vector<16xi32>], vector<16xf32>,
      %add3A_109 = arith.constant 3 : i32
      %add3A_110 = vector.broadcast %add3A_109 : i32 to vector<16xi32>
      %add3A_111 = arith.addi %mul3A_100, %add3A_110 : vector<16xi32>
      %gather3A_112 = tpu.vector_load_idx %arg4[%add3A_111] : memref<768xf32, #tpu.memory_space<vmem>>[vector<16xi32>], vector<16xf32>,
      %add3A_113 = arith.constant 4 : i32
      %add3A_114 = vector.broadcast %add3A_113 : i32 to vector<16xi32>
      %add3A_115 = arith.addi %mul3A_100, %add3A_114 : vector<16xi32>
      %gather3A_116 = tpu.vector_load_idx %arg4[%add3A_115] : memref<768xf32, #tpu.memory_space<vmem>>[vector<16xi32>], vector<16xf32>,
      %add3A_117 = arith.constant 5 : i32
      %add3A_118 = vector.broadcast %add3A_117 : i32 to vector<16xi32>
      %add3A_119 = arith.addi %mul3A_100, %add3A_118 : vector<16xi32>
      %gather3A_120 = tpu.vector_load_idx %arg4[%add3A_119] : memref<768xf32, #tpu.memory_space<vmem>>[vector<16xi32>], vector<16xf32>,
      %convert_element_type3A_121 = arith.fptosi %gather3A : vector<16xf32> to vector<16xi32>
      %convert_element_type3A_122 = arith.fptosi %gather3A_104 : vector<16xf32> to vector<16xi32>
      %convert_element_type3A_123 = arith.fptosi %gather3A_116 : vector<16xf32> to vector<16xi32>
      %convert_element_type3A_124 = arith.sitofp %convert_element_type3A_121 : vector<16xi32> to vector<16xf32>
      %sub3A_125 = arith.subf %gather3A, %convert_element_type3A_124 : vector<16xf32>
      %convert_element_type3A_126 = arith.sitofp %convert_element_type3A_122 : vector<16xi32> to vector<16xf32>
      %sub3A_127 = arith.subf %gather3A_104, %convert_element_type3A_126 : vector<16xf32>
      %select_n3A_128 = arith.select %lt3A_2, %convert_element_type3A_123, %add3A_48 : vector<16xi1>, vector<16xi32>
      %add3A_129 = arith.addi %convert_element_type3A_121, %select_n3A_26 : vector<16xi32>
      %add3A_130 = arith.addi %convert_element_type3A_122, %select_n3A_36 : vector<16xi32>
      %eq3A_131 = arith.constant 1.000000e+00 : f32
      %eq3A_132 = vector.broadcast %eq3A_131 : f32 to vector<16xf32>
      %eq3A_133 = arith.cmpf oeq, %gather3A_120, %eq3A_132 : vector<16xf32>
      %ge3A_134 = arith.constant 0 : i32
      %ge3A_135 = vector.broadcast %ge3A_134 : i32 to vector<16xi32>
      %ge3A_136 = arith.cmpi sge, %add3A_129, %ge3A_135 : vector<16xi32>
      %lt3A_137 = arith.constant 128 : i32
      %lt3A_138 = vector.broadcast %lt3A_137 : i32 to vector<16xi32>
      %lt3A_139 = arith.cmpi slt, %add3A_129, %lt3A_138 : vector<16xi32>
      %and3A_140 = arith.andi %ge3A_136, %lt3A_139 : vector<16xi1>
      %ge3A_141 = arith.constant 0 : i32
      %ge3A_142 = vector.broadcast %ge3A_141 : i32 to vector<16xi32>
      %ge3A_143 = arith.cmpi sge, %add3A_130, %ge3A_142 : vector<16xi32>
      %and3A_144 = arith.andi %and3A_140, %ge3A_143 : vector<16xi1>
      %lt3A_145 = arith.constant 128 : i32
      %lt3A_146 = vector.broadcast %lt3A_145 : i32 to vector<16xi32>
      %lt3A_147 = arith.cmpi slt, %add3A_130, %lt3A_146 : vector<16xi32>
      %and3A_148 = arith.andi %and3A_144, %lt3A_147 : vector<16xi1>
      %and3A_149 = arith.andi %eq3A_133, %and3A_148 : vector<16xi1>
      %shift_left3A = arith.constant 14 : i32
      %shift_left3A_150 = vector.broadcast %shift_left3A : i32 to vector<16xi32>
      %shift_left3A_151 = arith.shli %select_n3A_128, %shift_left3A_150 : vector<16xi32>
      %shift_left3A_152 = arith.constant 7 : i32
      %shift_left3A_153 = vector.broadcast %shift_left3A_152 : i32 to vector<16xi32>
      %shift_left3A_154 = arith.shli %add3A_129, %shift_left3A_153 : vector<16xi32>
      %add3A_155 = arith.addi %shift_left3A_151, %shift_left3A_154 : vector<16xi32>
      %add3A_156 = arith.addi %add3A_155, %add3A_130 : vector<16xi32>
      %and3A_157 = arith.andi %and3A_149, %lt3A_2 : vector<16xi1>
      %jit3A_158 = arith.constant 134217728 : i32
      %broadcast_in_dim3A_159 = vector.broadcast %jit3A_158 : i32 to vector<16xi32>
      %select_n3A_160 = arith.select %and3A_157, %add3A_156, %broadcast_in_dim3A_159 : vector<16xi1>, vector<16xi32>
      %mul3A_161 = arith.constant 16 : i32
      %mul3A_162 = arith.muli %scan3A_96, %mul3A_161 : i32
      %swap3A_163 = arith.index_cast %mul3A_162 : i32 to index
      %swap3A_164 = tpu.vector_load %arg5[%swap3A_163] {strides = array<i32>} : memref<2048xi32, #tpu.memory_space<vmem>>, vector<16xi32>,
      tpu.vector_store %arg5[%swap3A_163], %select_n3A_160 {strides = array<i32>} : memref<2048xi32, #tpu.memory_space<vmem>>, vector<16xi32>,
      %mul3A_165 = arith.constant 16 : i32
      %mul3A_166 = arith.muli %scan3A_96, %mul3A_165 : i32
      %swap3A_167 = arith.index_cast %mul3A_166 : i32 to index
      %swap3A_168 = tpu.vector_load %arg6[%swap3A_167] {strides = array<i32>} : memref<2048xf32, #tpu.memory_space<vmem>>, vector<16xf32>,
      tpu.vector_store %arg6[%swap3A_167], %exp3A {strides = array<i32>} : memref<2048xf32, #tpu.memory_space<vmem>>, vector<16xf32>,
      %and3A_169 = arith.andi %and3A_149, %and3A : vector<16xi1>
      %jit3A_170 = arith.constant 134217728 : i32
      %broadcast_in_dim3A_171 = vector.broadcast %jit3A_170 : i32 to vector<16xi32>
      %select_n3A_172 = arith.select %and3A_169, %add3A_156, %broadcast_in_dim3A_171 : vector<16xi1>, vector<16xi32>
      %mul3A_173 = arith.constant 16 : i32
      %mul3A_174 = arith.muli %scan3A_96, %mul3A_173 : i32
      %swap3A_175 = arith.index_cast %mul3A_174 : i32 to index
      %swap3A_176 = tpu.vector_load %arg7[%swap3A_175] {strides = array<i32>} : memref<2048xi32, #tpu.memory_space<vmem>>, vector<16xi32>,
      tpu.vector_store %arg7[%swap3A_175], %select_n3A_172 {strides = array<i32>} : memref<2048xi32, #tpu.memory_space<vmem>>, vector<16xi32>,
      %eq3A_177 = arith.constant 9 : i32
      %eq3A_178 = vector.broadcast %eq3A_177 : i32 to vector<16xi32>
      %eq3A_179 = arith.cmpi eq, %iota3A, %eq3A_178 : vector<16xi32>
      %jit3A_180 = arith.constant 0.000000e+00 : f32
      %broadcast_in_dim3A_181 = vector.broadcast %jit3A_180 : f32 to vector<16xf32>
      %select_n3A_182 = arith.select %eq3A_179, %sub3A_125, %broadcast_in_dim3A_181 : vector<16xi1>, vector<16xf32>
      %eq3A_183 = arith.constant 10 : i32
      %eq3A_184 = vector.broadcast %eq3A_183 : i32 to vector<16xi32>
      %eq3A_185 = arith.cmpi eq, %iota3A, %eq3A_184 : vector<16xi32>
      %select_n3A_186 = arith.select %eq3A_185, %sub3A_127, %select_n3A_182 : vector<16xi1>, vector<16xf32>
      %eq3A_187 = arith.constant 11 : i32
      %eq3A_188 = vector.broadcast %eq3A_187 : i32 to vector<16xi32>
      %eq3A_189 = arith.cmpi eq, %iota3A, %eq3A_188 : vector<16xi32>
      %select_n3A_190 = arith.select %eq3A_189, %gather3A_108, %select_n3A_186 : vector<16xi1>, vector<16xf32>
      %eq3A_191 = arith.constant 12 : i32
      %eq3A_192 = vector.broadcast %eq3A_191 : i32 to vector<16xi32>
      %eq3A_193 = arith.cmpi eq, %iota3A, %eq3A_192 : vector<16xi32>
      %select_n3A_194 = arith.select %eq3A_193, %gather3A_112, %select_n3A_190 : vector<16xi1>, vector<16xf32>
      %mul3A_195 = arith.constant 16 : i32
      %mul3A_196 = arith.muli %scan3A_96, %mul3A_195 : i32
      %swap3A_197 = arith.index_cast %mul3A_196 : i32 to index
      %swap3A_198 = tpu.vector_load %arg8[%swap3A_197] {strides = array<i32>} : memref<2048xf32, #tpu.memory_space<vmem>>, vector<16xf32>,
      tpu.vector_store %arg8[%swap3A_197], %select_n3A_194 {strides = array<i32>} : memref<2048xf32, #tpu.memory_space<vmem>>, vector<16xf32>,
      %mul3A_199 = arith.constant 21846 : i32
      %mul3A_200 = vector.broadcast %mul3A_199 : i32 to vector<16xi32>
      %mul3A_201 = arith.muli %convert_element_type3A_123, %mul3A_200 : vector<16xi32>
      %shift_right_arithmetic3A = arith.constant 16 : i32
      %shift_right_arithmetic3A_202 = vector.broadcast %shift_right_arithmetic3A : i32 to vector<16xi32>
      %shift_right_arithmetic3A_203 = arith.shrsi %mul3A_201, %shift_right_arithmetic3A_202 : vector<16xi32>
      %gather3A_204 = tpu.vector_load_idx %arg10[%shift_right_arithmetic3A_203] : memref<32xi32, #tpu.memory_space<vmem>>[vector<16xi32>], vector<16xi32>,
      %and3A_205 = arith.andi %eq3A_52, %eq3A_133 : vector<16xi1>
      %mul3A_206 = arith.constant 128 : i32
      %mul3A_207 = vector.broadcast %mul3A_206 : i32 to vector<16xi32>
      %mul3A_208 = arith.muli %shift_right_arithmetic3A_203, %mul3A_207 : vector<16xi32>
      %add3A_209 = arith.addi %mul3A_208, %gather3A_204 : vector<16xi32>
      tpu.vector_store_idx %arg9[%add3A_209], %broadcast_in_dim3A_97 masked %and3A_205 : memref<3584xi32, #tpu.memory_space<vmem>>[vector<16xi32>], vector<16xi32>, vector<16xi1>
      %add3A_210 = arith.constant 1 : i32
      %add3A_211 = vector.broadcast %add3A_210 : i32 to vector<16xi32>
      %add3A_212 = arith.addi %gather3A_204, %add3A_211 : vector<16xi32>
      tpu.vector_store_idx %arg10[%shift_right_arithmetic3A_203], %add3A_212 masked %and3A_205 : memref<32xi32, #tpu.memory_space<vmem>>[vector<16xi32>], vector<16xi32>, vector<16xi1>
    }
    %scan3A_64 = arith.constant 128 : i32
    %scan3A_65 = arith.constant 0 : i32
    %scan3A_66 = arith.constant 0 : i32
    %scan3A_67 = arith.constant 128 : i32
    %scan3A_68 = arith.addi %scan3A_66, %scan3A_67 : i32
    %scan3A_69 = arith.constant 1 : i32
    scf.for %scan3A_96 = %scan3A_66 to %scan3A_68 step %scan3A_69  : i32 {
      %swap3A_97 = arith.constant 0 : i32
      %swap3A_98 = arith.index_cast %swap3A_97 : i32 to index
      %swap3A_99 = arith.index_cast %scan3A_96 : i32 to index
      %swap3A_100 = arith.constant 0 : index
      %swap3A_101 = tpu.vector_load %arg11[%swap3A_98, %swap3A_99, %swap3A_100] {strides = array<i32>} : memref<3x128x128xf32, #tpu.memory_space<vmem>>, vector<16xf32>,
      tpu.vector_store %arg11[%swap3A_98, %swap3A_99, %swap3A_100], %broadcast_in_dim3A_50 {strides = array<i32>} : memref<3x128x128xf32, #tpu.memory_space<vmem>>, vector<16xf32>,
      %swap3A_102 = arith.constant 0 : i32
      %swap3A_103 = arith.index_cast %swap3A_102 : i32 to index
      %swap3A_104 = arith.index_cast %scan3A_96 : i32 to index
      %swap3A_105 = arith.constant 0 : index
      %swap3A_106 = tpu.vector_load %arg12[%swap3A_103, %swap3A_104, %swap3A_105] {strides = array<i32>} : memref<3x128x128xf32, #tpu.memory_space<vmem>>, vector<16xf32>,
      tpu.vector_store %arg12[%swap3A_103, %swap3A_104, %swap3A_105], %broadcast_in_dim3A_50 {strides = array<i32>} : memref<3x128x128xf32, #tpu.memory_space<vmem>>, vector<16xf32>,
      %swap3A_107 = arith.constant 0 : i32
      %swap3A_108 = arith.index_cast %swap3A_107 : i32 to index
      %swap3A_109 = arith.index_cast %scan3A_96 : i32 to index
      %swap3A_110 = arith.constant 16 : index
      %swap3A_111 = tpu.vector_load %arg11[%swap3A_108, %swap3A_109, %swap3A_110] {strides = array<i32>} : memref<3x128x128xf32, #tpu.memory_space<vmem>>, vector<16xf32>,
      tpu.vector_store %arg11[%swap3A_108, %swap3A_109, %swap3A_110], %broadcast_in_dim3A_50 {strides = array<i32>} : memref<3x128x128xf32, #tpu.memory_space<vmem>>, vector<16xf32>,
      %swap3A_112 = arith.constant 0 : i32
      %swap3A_113 = arith.index_cast %swap3A_112 : i32 to index
      %swap3A_114 = arith.index_cast %scan3A_96 : i32 to index
      %swap3A_115 = arith.constant 16 : index
      %swap3A_116 = tpu.vector_load %arg12[%swap3A_113, %swap3A_114, %swap3A_115] {strides = array<i32>} : memref<3x128x128xf32, #tpu.memory_space<vmem>>, vector<16xf32>,
      tpu.vector_store %arg12[%swap3A_113, %swap3A_114, %swap3A_115], %broadcast_in_dim3A_50 {strides = array<i32>} : memref<3x128x128xf32, #tpu.memory_space<vmem>>, vector<16xf32>,
      %swap3A_117 = arith.constant 0 : i32
      %swap3A_118 = arith.index_cast %swap3A_117 : i32 to index
      %swap3A_119 = arith.index_cast %scan3A_96 : i32 to index
      %swap3A_120 = arith.constant 32 : index
      %swap3A_121 = tpu.vector_load %arg11[%swap3A_118, %swap3A_119, %swap3A_120] {strides = array<i32>} : memref<3x128x128xf32, #tpu.memory_space<vmem>>, vector<16xf32>,
      tpu.vector_store %arg11[%swap3A_118, %swap3A_119, %swap3A_120], %broadcast_in_dim3A_50 {strides = array<i32>} : memref<3x128x128xf32, #tpu.memory_space<vmem>>, vector<16xf32>,
      %swap3A_122 = arith.constant 0 : i32
      %swap3A_123 = arith.index_cast %swap3A_122 : i32 to index
      %swap3A_124 = arith.index_cast %scan3A_96 : i32 to index
      %swap3A_125 = arith.constant 32 : index
      %swap3A_126 = tpu.vector_load %arg12[%swap3A_123, %swap3A_124, %swap3A_125] {strides = array<i32>} : memref<3x128x128xf32, #tpu.memory_space<vmem>>, vector<16xf32>,
      tpu.vector_store %arg12[%swap3A_123, %swap3A_124, %swap3A_125], %broadcast_in_dim3A_50 {strides = array<i32>} : memref<3x128x128xf32, #tpu.memory_space<vmem>>, vector<16xf32>,
      %swap3A_127 = arith.constant 0 : i32
      %swap3A_128 = arith.index_cast %swap3A_127 : i32 to index
      %swap3A_129 = arith.index_cast %scan3A_96 : i32 to index
      %swap3A_130 = arith.constant 48 : index
      %swap3A_131 = tpu.vector_load %arg11[%swap3A_128, %swap3A_129, %swap3A_130] {strides = array<i32>} : memref<3x128x128xf32, #tpu.memory_space<vmem>>, vector<16xf32>,
      tpu.vector_store %arg11[%swap3A_128, %swap3A_129, %swap3A_130], %broadcast_in_dim3A_50 {strides = array<i32>} : memref<3x128x128xf32, #tpu.memory_space<vmem>>, vector<16xf32>,
      %swap3A_132 = arith.constant 0 : i32
      %swap3A_133 = arith.index_cast %swap3A_132 : i32 to index
      %swap3A_134 = arith.index_cast %scan3A_96 : i32 to index
      %swap3A_135 = arith.constant 48 : index
      %swap3A_136 = tpu.vector_load %arg12[%swap3A_133, %swap3A_134, %swap3A_135] {strides = array<i32>} : memref<3x128x128xf32, #tpu.memory_space<vmem>>, vector<16xf32>,
      tpu.vector_store %arg12[%swap3A_133, %swap3A_134, %swap3A_135], %broadcast_in_dim3A_50 {strides = array<i32>} : memref<3x128x128xf32, #tpu.memory_space<vmem>>, vector<16xf32>,
      %swap3A_137 = arith.constant 0 : i32
      %swap3A_138 = arith.index_cast %swap3A_137 : i32 to index
      %swap3A_139 = arith.index_cast %scan3A_96 : i32 to index
      %swap3A_140 = arith.constant 64 : index
      %swap3A_141 = tpu.vector_load %arg11[%swap3A_138, %swap3A_139, %swap3A_140] {strides = array<i32>} : memref<3x128x128xf32, #tpu.memory_space<vmem>>, vector<16xf32>,
      tpu.vector_store %arg11[%swap3A_138, %swap3A_139, %swap3A_140], %broadcast_in_dim3A_50 {strides = array<i32>} : memref<3x128x128xf32, #tpu.memory_space<vmem>>, vector<16xf32>,
      %swap3A_142 = arith.constant 0 : i32
      %swap3A_143 = arith.index_cast %swap3A_142 : i32 to index
      %swap3A_144 = arith.index_cast %scan3A_96 : i32 to index
      %swap3A_145 = arith.constant 64 : index
      %swap3A_146 = tpu.vector_load %arg12[%swap3A_143, %swap3A_144, %swap3A_145] {strides = array<i32>} : memref<3x128x128xf32, #tpu.memory_space<vmem>>, vector<16xf32>,
      tpu.vector_store %arg12[%swap3A_143, %swap3A_144, %swap3A_145], %broadcast_in_dim3A_50 {strides = array<i32>} : memref<3x128x128xf32, #tpu.memory_space<vmem>>, vector<16xf32>,
      %swap3A_147 = arith.constant 0 : i32
      %swap3A_148 = arith.index_cast %swap3A_147 : i32 to index
      %swap3A_149 = arith.index_cast %scan3A_96 : i32 to index
      %swap3A_150 = arith.constant 80 : index
      %swap3A_151 = tpu.vector_load %arg11[%swap3A_148, %swap3A_149, %swap3A_150] {strides = array<i32>} : memref<3x128x128xf32, #tpu.memory_space<vmem>>, vector<16xf32>,
      tpu.vector_store %arg11[%swap3A_148, %swap3A_149, %swap3A_150], %broadcast_in_dim3A_50 {strides = array<i32>} : memref<3x128x128xf32, #tpu.memory_space<vmem>>, vector<16xf32>,
      %swap3A_152 = arith.constant 0 : i32
      %swap3A_153 = arith.index_cast %swap3A_152 : i32 to index
      %swap3A_154 = arith.index_cast %scan3A_96 : i32 to index
      %swap3A_155 = arith.constant 80 : index
      %swap3A_156 = tpu.vector_load %arg12[%swap3A_153, %swap3A_154, %swap3A_155] {strides = array<i32>} : memref<3x128x128xf32, #tpu.memory_space<vmem>>, vector<16xf32>,
      tpu.vector_store %arg12[%swap3A_153, %swap3A_154, %swap3A_155], %broadcast_in_dim3A_50 {strides = array<i32>} : memref<3x128x128xf32, #tpu.memory_space<vmem>>, vector<16xf32>,
      %swap3A_157 = arith.constant 0 : i32
      %swap3A_158 = arith.index_cast %swap3A_157 : i32 to index
      %swap3A_159 = arith.index_cast %scan3A_96 : i32 to index
      %swap3A_160 = arith.constant 96 : index
      %swap3A_161 = tpu.vector_load %arg11[%swap3A_158, %swap3A_159, %swap3A_160] {strides = array<i32>} : memref<3x128x128xf32, #tpu.memory_space<vmem>>, vector<16xf32>,
      tpu.vector_store %arg11[%swap3A_158, %swap3A_159, %swap3A_160], %broadcast_in_dim3A_50 {strides = array<i32>} : memref<3x128x128xf32, #tpu.memory_space<vmem>>, vector<16xf32>,
      %swap3A_162 = arith.constant 0 : i32
      %swap3A_163 = arith.index_cast %swap3A_162 : i32 to index
      %swap3A_164 = arith.index_cast %scan3A_96 : i32 to index
      %swap3A_165 = arith.constant 96 : index
      %swap3A_166 = tpu.vector_load %arg12[%swap3A_163, %swap3A_164, %swap3A_165] {strides = array<i32>} : memref<3x128x128xf32, #tpu.memory_space<vmem>>, vector<16xf32>,
      tpu.vector_store %arg12[%swap3A_163, %swap3A_164, %swap3A_165], %broadcast_in_dim3A_50 {strides = array<i32>} : memref<3x128x128xf32, #tpu.memory_space<vmem>>, vector<16xf32>,
      %swap3A_167 = arith.constant 0 : i32
      %swap3A_168 = arith.index_cast %swap3A_167 : i32 to index
      %swap3A_169 = arith.index_cast %scan3A_96 : i32 to index
      %swap3A_170 = arith.constant 112 : index
      %swap3A_171 = tpu.vector_load %arg11[%swap3A_168, %swap3A_169, %swap3A_170] {strides = array<i32>} : memref<3x128x128xf32, #tpu.memory_space<vmem>>, vector<16xf32>,
      tpu.vector_store %arg11[%swap3A_168, %swap3A_169, %swap3A_170], %broadcast_in_dim3A_50 {strides = array<i32>} : memref<3x128x128xf32, #tpu.memory_space<vmem>>, vector<16xf32>,
      %swap3A_172 = arith.constant 0 : i32
      %swap3A_173 = arith.index_cast %swap3A_172 : i32 to index
      %swap3A_174 = arith.index_cast %scan3A_96 : i32 to index
      %swap3A_175 = arith.constant 112 : index
      %swap3A_176 = tpu.vector_load %arg12[%swap3A_173, %swap3A_174, %swap3A_175] {strides = array<i32>} : memref<3x128x128xf32, #tpu.memory_space<vmem>>, vector<16xf32>,
      tpu.vector_store %arg12[%swap3A_173, %swap3A_174, %swap3A_175], %broadcast_in_dim3A_50 {strides = array<i32>} : memref<3x128x128xf32, #tpu.memory_space<vmem>>, vector<16xf32>,
      %swap3A_177 = arith.constant 1 : i32
      %swap3A_178 = arith.index_cast %swap3A_177 : i32 to index
      %swap3A_179 = arith.index_cast %scan3A_96 : i32 to index
      %swap3A_180 = arith.constant 0 : index
      %swap3A_181 = tpu.vector_load %arg11[%swap3A_178, %swap3A_179, %swap3A_180] {strides = array<i32>} : memref<3x128x128xf32, #tpu.memory_space<vmem>>, vector<16xf32>,
      tpu.vector_store %arg11[%swap3A_178, %swap3A_179, %swap3A_180], %broadcast_in_dim3A_50 {strides = array<i32>} : memref<3x128x128xf32, #tpu.memory_space<vmem>>, vector<16xf32>,
      %swap3A_182 = arith.constant 1 : i32
      %swap3A_183 = arith.index_cast %swap3A_182 : i32 to index
      %swap3A_184 = arith.index_cast %scan3A_96 : i32 to index
      %swap3A_185 = arith.constant 0 : index
      %swap3A_186 = tpu.vector_load %arg12[%swap3A_183, %swap3A_184, %swap3A_185] {strides = array<i32>} : memref<3x128x128xf32, #tpu.memory_space<vmem>>, vector<16xf32>,
      tpu.vector_store %arg12[%swap3A_183, %swap3A_184, %swap3A_185], %broadcast_in_dim3A_50 {strides = array<i32>} : memref<3x128x128xf32, #tpu.memory_space<vmem>>, vector<16xf32>,
      %swap3A_187 = arith.constant 1 : i32
      %swap3A_188 = arith.index_cast %swap3A_187 : i32 to index
      %swap3A_189 = arith.index_cast %scan3A_96 : i32 to index
      %swap3A_190 = arith.constant 16 : index
      %swap3A_191 = tpu.vector_load %arg11[%swap3A_188, %swap3A_189, %swap3A_190] {strides = array<i32>} : memref<3x128x128xf32, #tpu.memory_space<vmem>>, vector<16xf32>,
      tpu.vector_store %arg11[%swap3A_188, %swap3A_189, %swap3A_190], %broadcast_in_dim3A_50 {strides = array<i32>} : memref<3x128x128xf32, #tpu.memory_space<vmem>>, vector<16xf32>,
      %swap3A_192 = arith.constant 1 : i32
      %swap3A_193 = arith.index_cast %swap3A_192 : i32 to index
      %swap3A_194 = arith.index_cast %scan3A_96 : i32 to index
      %swap3A_195 = arith.constant 16 : index
      %swap3A_196 = tpu.vector_load %arg12[%swap3A_193, %swap3A_194, %swap3A_195] {strides = array<i32>} : memref<3x128x128xf32, #tpu.memory_space<vmem>>, vector<16xf32>,
      tpu.vector_store %arg12[%swap3A_193, %swap3A_194, %swap3A_195], %broadcast_in_dim3A_50 {strides = array<i32>} : memref<3x128x128xf32, #tpu.memory_space<vmem>>, vector<16xf32>,
      %swap3A_197 = arith.constant 1 : i32
      %swap3A_198 = arith.index_cast %swap3A_197 : i32 to index
      %swap3A_199 = arith.index_cast %scan3A_96 : i32 to index
      %swap3A_200 = arith.constant 32 : index
      %swap3A_201 = tpu.vector_load %arg11[%swap3A_198, %swap3A_199, %swap3A_200] {strides = array<i32>} : memref<3x128x128xf32, #tpu.memory_space<vmem>>, vector<16xf32>,
      tpu.vector_store %arg11[%swap3A_198, %swap3A_199, %swap3A_200], %broadcast_in_dim3A_50 {strides = array<i32>} : memref<3x128x128xf32, #tpu.memory_space<vmem>>, vector<16xf32>,
      %swap3A_202 = arith.constant 1 : i32
      %swap3A_203 = arith.index_cast %swap3A_202 : i32 to index
      %swap3A_204 = arith.index_cast %scan3A_96 : i32 to index
      %swap3A_205 = arith.constant 32 : index
      %swap3A_206 = tpu.vector_load %arg12[%swap3A_203, %swap3A_204, %swap3A_205] {strides = array<i32>} : memref<3x128x128xf32, #tpu.memory_space<vmem>>, vector<16xf32>,
      tpu.vector_store %arg12[%swap3A_203, %swap3A_204, %swap3A_205], %broadcast_in_dim3A_50 {strides = array<i32>} : memref<3x128x128xf32, #tpu.memory_space<vmem>>, vector<16xf32>,
      %swap3A_207 = arith.constant 1 : i32
      %swap3A_208 = arith.index_cast %swap3A_207 : i32 to index
      %swap3A_209 = arith.index_cast %scan3A_96 : i32 to index
      %swap3A_210 = arith.constant 48 : index
      %swap3A_211 = tpu.vector_load %arg11[%swap3A_208, %swap3A_209, %swap3A_210] {strides = array<i32>} : memref<3x128x128xf32, #tpu.memory_space<vmem>>, vector<16xf32>,
      tpu.vector_store %arg11[%swap3A_208, %swap3A_209, %swap3A_210], %broadcast_in_dim3A_50 {strides = array<i32>} : memref<3x128x128xf32, #tpu.memory_space<vmem>>, vector<16xf32>,
      %swap3A_212 = arith.constant 1 : i32
      %swap3A_213 = arith.index_cast %swap3A_212 : i32 to index
      %swap3A_214 = arith.index_cast %scan3A_96 : i32 to index
      %swap3A_215 = arith.constant 48 : index
      %swap3A_216 = tpu.vector_load %arg12[%swap3A_213, %swap3A_214, %swap3A_215] {strides = array<i32>} : memref<3x128x128xf32, #tpu.memory_space<vmem>>, vector<16xf32>,
      tpu.vector_store %arg12[%swap3A_213, %swap3A_214, %swap3A_215], %broadcast_in_dim3A_50 {strides = array<i32>} : memref<3x128x128xf32, #tpu.memory_space<vmem>>, vector<16xf32>,
      %swap3A_217 = arith.constant 1 : i32
      %swap3A_218 = arith.index_cast %swap3A_217 : i32 to index
      %swap3A_219 = arith.index_cast %scan3A_96 : i32 to index
      %swap3A_220 = arith.constant 64 : index
      %swap3A_221 = tpu.vector_load %arg11[%swap3A_218, %swap3A_219, %swap3A_220] {strides = array<i32>} : memref<3x128x128xf32, #tpu.memory_space<vmem>>, vector<16xf32>,
      tpu.vector_store %arg11[%swap3A_218, %swap3A_219, %swap3A_220], %broadcast_in_dim3A_50 {strides = array<i32>} : memref<3x128x128xf32, #tpu.memory_space<vmem>>, vector<16xf32>,
      %swap3A_222 = arith.constant 1 : i32
      %swap3A_223 = arith.index_cast %swap3A_222 : i32 to index
      %swap3A_224 = arith.index_cast %scan3A_96 : i32 to index
      %swap3A_225 = arith.constant 64 : index
      %swap3A_226 = tpu.vector_load %arg12[%swap3A_223, %swap3A_224, %swap3A_225] {strides = array<i32>} : memref<3x128x128xf32, #tpu.memory_space<vmem>>, vector<16xf32>,
      tpu.vector_store %arg12[%swap3A_223, %swap3A_224, %swap3A_225], %broadcast_in_dim3A_50 {strides = array<i32>} : memref<3x128x128xf32, #tpu.memory_space<vmem>>, vector<16xf32>,
      %swap3A_227 = arith.constant 1 : i32
      %swap3A_228 = arith.index_cast %swap3A_227 : i32 to index
      %swap3A_229 = arith.index_cast %scan3A_96 : i32 to index
      %swap3A_230 = arith.constant 80 : index
      %swap3A_231 = tpu.vector_load %arg11[%swap3A_228, %swap3A_229, %swap3A_230] {strides = array<i32>} : memref<3x128x128xf32, #tpu.memory_space<vmem>>, vector<16xf32>,
      tpu.vector_store %arg11[%swap3A_228, %swap3A_229, %swap3A_230], %broadcast_in_dim3A_50 {strides = array<i32>} : memref<3x128x128xf32, #tpu.memory_space<vmem>>, vector<16xf32>,
      %swap3A_232 = arith.constant 1 : i32
      %swap3A_233 = arith.index_cast %swap3A_232 : i32 to index
      %swap3A_234 = arith.index_cast %scan3A_96 : i32 to index
      %swap3A_235 = arith.constant 80 : index
      %swap3A_236 = tpu.vector_load %arg12[%swap3A_233, %swap3A_234, %swap3A_235] {strides = array<i32>} : memref<3x128x128xf32, #tpu.memory_space<vmem>>, vector<16xf32>,
      tpu.vector_store %arg12[%swap3A_233, %swap3A_234, %swap3A_235], %broadcast_in_dim3A_50 {strides = array<i32>} : memref<3x128x128xf32, #tpu.memory_space<vmem>>, vector<16xf32>,
      %swap3A_237 = arith.constant 1 : i32
      %swap3A_238 = arith.index_cast %swap3A_237 : i32 to index
      %swap3A_239 = arith.index_cast %scan3A_96 : i32 to index
      %swap3A_240 = arith.constant 96 : index
      %swap3A_241 = tpu.vector_load %arg11[%swap3A_238, %swap3A_239, %swap3A_240] {strides = array<i32>} : memref<3x128x128xf32, #tpu.memory_space<vmem>>, vector<16xf32>,
      tpu.vector_store %arg11[%swap3A_238, %swap3A_239, %swap3A_240], %broadcast_in_dim3A_50 {strides = array<i32>} : memref<3x128x128xf32, #tpu.memory_space<vmem>>, vector<16xf32>,
      %swap3A_242 = arith.constant 1 : i32
      %swap3A_243 = arith.index_cast %swap3A_242 : i32 to index
      %swap3A_244 = arith.index_cast %scan3A_96 : i32 to index
      %swap3A_245 = arith.constant 96 : index
      %swap3A_246 = tpu.vector_load %arg12[%swap3A_243, %swap3A_244, %swap3A_245] {strides = array<i32>} : memref<3x128x128xf32, #tpu.memory_space<vmem>>, vector<16xf32>,
      tpu.vector_store %arg12[%swap3A_243, %swap3A_244, %swap3A_245], %broadcast_in_dim3A_50 {strides = array<i32>} : memref<3x128x128xf32, #tpu.memory_space<vmem>>, vector<16xf32>,
      %swap3A_247 = arith.constant 1 : i32
      %swap3A_248 = arith.index_cast %swap3A_247 : i32 to index
      %swap3A_249 = arith.index_cast %scan3A_96 : i32 to index
      %swap3A_250 = arith.constant 112 : index
      %swap3A_251 = tpu.vector_load %arg11[%swap3A_248, %swap3A_249, %swap3A_250] {strides = array<i32>} : memref<3x128x128xf32, #tpu.memory_space<vmem>>, vector<16xf32>,
      tpu.vector_store %arg11[%swap3A_248, %swap3A_249, %swap3A_250], %broadcast_in_dim3A_50 {strides = array<i32>} : memref<3x128x128xf32, #tpu.memory_space<vmem>>, vector<16xf32>,
      %swap3A_252 = arith.constant 1 : i32
      %swap3A_253 = arith.index_cast %swap3A_252 : i32 to index
      %swap3A_254 = arith.index_cast %scan3A_96 : i32 to index
      %swap3A_255 = arith.constant 112 : index
      %swap3A_256 = tpu.vector_load %arg12[%swap3A_253, %swap3A_254, %swap3A_255] {strides = array<i32>} : memref<3x128x128xf32, #tpu.memory_space<vmem>>, vector<16xf32>,
      tpu.vector_store %arg12[%swap3A_253, %swap3A_254, %swap3A_255], %broadcast_in_dim3A_50 {strides = array<i32>} : memref<3x128x128xf32, #tpu.memory_space<vmem>>, vector<16xf32>,
      %swap3A_257 = arith.constant 2 : i32
      %swap3A_258 = arith.index_cast %swap3A_257 : i32 to index
      %swap3A_259 = arith.index_cast %scan3A_96 : i32 to index
      %swap3A_260 = arith.constant 0 : index
      %swap3A_261 = tpu.vector_load %arg11[%swap3A_258, %swap3A_259, %swap3A_260] {strides = array<i32>} : memref<3x128x128xf32, #tpu.memory_space<vmem>>, vector<16xf32>,
      tpu.vector_store %arg11[%swap3A_258, %swap3A_259, %swap3A_260], %broadcast_in_dim3A_50 {strides = array<i32>} : memref<3x128x128xf32, #tpu.memory_space<vmem>>, vector<16xf32>,
      %swap3A_262 = arith.constant 2 : i32
      %swap3A_263 = arith.index_cast %swap3A_262 : i32 to index
      %swap3A_264 = arith.index_cast %scan3A_96 : i32 to index
      %swap3A_265 = arith.constant 0 : index
      %swap3A_266 = tpu.vector_load %arg12[%swap3A_263, %swap3A_264, %swap3A_265] {strides = array<i32>} : memref<3x128x128xf32, #tpu.memory_space<vmem>>, vector<16xf32>,
      tpu.vector_store %arg12[%swap3A_263, %swap3A_264, %swap3A_265], %broadcast_in_dim3A_50 {strides = array<i32>} : memref<3x128x128xf32, #tpu.memory_space<vmem>>, vector<16xf32>,
      %swap3A_267 = arith.constant 2 : i32
      %swap3A_268 = arith.index_cast %swap3A_267 : i32 to index
      %swap3A_269 = arith.index_cast %scan3A_96 : i32 to index
      %swap3A_270 = arith.constant 16 : index
      %swap3A_271 = tpu.vector_load %arg11[%swap3A_268, %swap3A_269, %swap3A_270] {strides = array<i32>} : memref<3x128x128xf32, #tpu.memory_space<vmem>>, vector<16xf32>,
      tpu.vector_store %arg11[%swap3A_268, %swap3A_269, %swap3A_270], %broadcast_in_dim3A_50 {strides = array<i32>} : memref<3x128x128xf32, #tpu.memory_space<vmem>>, vector<16xf32>,
      %swap3A_272 = arith.constant 2 : i32
      %swap3A_273 = arith.index_cast %swap3A_272 : i32 to index
      %swap3A_274 = arith.index_cast %scan3A_96 : i32 to index
      %swap3A_275 = arith.constant 16 : index
      %swap3A_276 = tpu.vector_load %arg12[%swap3A_273, %swap3A_274, %swap3A_275] {strides = array<i32>} : memref<3x128x128xf32, #tpu.memory_space<vmem>>, vector<16xf32>,
      tpu.vector_store %arg12[%swap3A_273, %swap3A_274, %swap3A_275], %broadcast_in_dim3A_50 {strides = array<i32>} : memref<3x128x128xf32, #tpu.memory_space<vmem>>, vector<16xf32>,
      %swap3A_277 = arith.constant 2 : i32
      %swap3A_278 = arith.index_cast %swap3A_277 : i32 to index
      %swap3A_279 = arith.index_cast %scan3A_96 : i32 to index
      %swap3A_280 = arith.constant 32 : index
      %swap3A_281 = tpu.vector_load %arg11[%swap3A_278, %swap3A_279, %swap3A_280] {strides = array<i32>} : memref<3x128x128xf32, #tpu.memory_space<vmem>>, vector<16xf32>,
      tpu.vector_store %arg11[%swap3A_278, %swap3A_279, %swap3A_280], %broadcast_in_dim3A_50 {strides = array<i32>} : memref<3x128x128xf32, #tpu.memory_space<vmem>>, vector<16xf32>,
      %swap3A_282 = arith.constant 2 : i32
      %swap3A_283 = arith.index_cast %swap3A_282 : i32 to index
      %swap3A_284 = arith.index_cast %scan3A_96 : i32 to index
      %swap3A_285 = arith.constant 32 : index
      %swap3A_286 = tpu.vector_load %arg12[%swap3A_283, %swap3A_284, %swap3A_285] {strides = array<i32>} : memref<3x128x128xf32, #tpu.memory_space<vmem>>, vector<16xf32>,
      tpu.vector_store %arg12[%swap3A_283, %swap3A_284, %swap3A_285], %broadcast_in_dim3A_50 {strides = array<i32>} : memref<3x128x128xf32, #tpu.memory_space<vmem>>, vector<16xf32>,
      %swap3A_287 = arith.constant 2 : i32
      %swap3A_288 = arith.index_cast %swap3A_287 : i32 to index
      %swap3A_289 = arith.index_cast %scan3A_96 : i32 to index
      %swap3A_290 = arith.constant 48 : index
      %swap3A_291 = tpu.vector_load %arg11[%swap3A_288, %swap3A_289, %swap3A_290] {strides = array<i32>} : memref<3x128x128xf32, #tpu.memory_space<vmem>>, vector<16xf32>,
      tpu.vector_store %arg11[%swap3A_288, %swap3A_289, %swap3A_290], %broadcast_in_dim3A_50 {strides = array<i32>} : memref<3x128x128xf32, #tpu.memory_space<vmem>>, vector<16xf32>,
      %swap3A_292 = arith.constant 2 : i32
      %swap3A_293 = arith.index_cast %swap3A_292 : i32 to index
      %swap3A_294 = arith.index_cast %scan3A_96 : i32 to index
      %swap3A_295 = arith.constant 48 : index
      %swap3A_296 = tpu.vector_load %arg12[%swap3A_293, %swap3A_294, %swap3A_295] {strides = array<i32>} : memref<3x128x128xf32, #tpu.memory_space<vmem>>, vector<16xf32>,
      tpu.vector_store %arg12[%swap3A_293, %swap3A_294, %swap3A_295], %broadcast_in_dim3A_50 {strides = array<i32>} : memref<3x128x128xf32, #tpu.memory_space<vmem>>, vector<16xf32>,
      %swap3A_297 = arith.constant 2 : i32
      %swap3A_298 = arith.index_cast %swap3A_297 : i32 to index
      %swap3A_299 = arith.index_cast %scan3A_96 : i32 to index
      %swap3A_300 = arith.constant 64 : index
      %swap3A_301 = tpu.vector_load %arg11[%swap3A_298, %swap3A_299, %swap3A_300] {strides = array<i32>} : memref<3x128x128xf32, #tpu.memory_space<vmem>>, vector<16xf32>,
      tpu.vector_store %arg11[%swap3A_298, %swap3A_299, %swap3A_300], %broadcast_in_dim3A_50 {strides = array<i32>} : memref<3x128x128xf32, #tpu.memory_space<vmem>>, vector<16xf32>,
      %swap3A_302 = arith.constant 2 : i32
      %swap3A_303 = arith.index_cast %swap3A_302 : i32 to index
      %swap3A_304 = arith.index_cast %scan3A_96 : i32 to index
      %swap3A_305 = arith.constant 64 : index
      %swap3A_306 = tpu.vector_load %arg12[%swap3A_303, %swap3A_304, %swap3A_305] {strides = array<i32>} : memref<3x128x128xf32, #tpu.memory_space<vmem>>, vector<16xf32>,
      tpu.vector_store %arg12[%swap3A_303, %swap3A_304, %swap3A_305], %broadcast_in_dim3A_50 {strides = array<i32>} : memref<3x128x128xf32, #tpu.memory_space<vmem>>, vector<16xf32>,
      %swap3A_307 = arith.constant 2 : i32
      %swap3A_308 = arith.index_cast %swap3A_307 : i32 to index
      %swap3A_309 = arith.index_cast %scan3A_96 : i32 to index
      %swap3A_310 = arith.constant 80 : index
      %swap3A_311 = tpu.vector_load %arg11[%swap3A_308, %swap3A_309, %swap3A_310] {strides = array<i32>} : memref<3x128x128xf32, #tpu.memory_space<vmem>>, vector<16xf32>,
      tpu.vector_store %arg11[%swap3A_308, %swap3A_309, %swap3A_310], %broadcast_in_dim3A_50 {strides = array<i32>} : memref<3x128x128xf32, #tpu.memory_space<vmem>>, vector<16xf32>,
      %swap3A_312 = arith.constant 2 : i32
      %swap3A_313 = arith.index_cast %swap3A_312 : i32 to index
      %swap3A_314 = arith.index_cast %scan3A_96 : i32 to index
      %swap3A_315 = arith.constant 80 : index
      %swap3A_316 = tpu.vector_load %arg12[%swap3A_313, %swap3A_314, %swap3A_315] {strides = array<i32>} : memref<3x128x128xf32, #tpu.memory_space<vmem>>, vector<16xf32>,
      tpu.vector_store %arg12[%swap3A_313, %swap3A_314, %swap3A_315], %broadcast_in_dim3A_50 {strides = array<i32>} : memref<3x128x128xf32, #tpu.memory_space<vmem>>, vector<16xf32>,
      %swap3A_317 = arith.constant 2 : i32
      %swap3A_318 = arith.index_cast %swap3A_317 : i32 to index
      %swap3A_319 = arith.index_cast %scan3A_96 : i32 to index
      %swap3A_320 = arith.constant 96 : index
      %swap3A_321 = tpu.vector_load %arg11[%swap3A_318, %swap3A_319, %swap3A_320] {strides = array<i32>} : memref<3x128x128xf32, #tpu.memory_space<vmem>>, vector<16xf32>,
      tpu.vector_store %arg11[%swap3A_318, %swap3A_319, %swap3A_320], %broadcast_in_dim3A_50 {strides = array<i32>} : memref<3x128x128xf32, #tpu.memory_space<vmem>>, vector<16xf32>,
      %swap3A_322 = arith.constant 2 : i32
      %swap3A_323 = arith.index_cast %swap3A_322 : i32 to index
      %swap3A_324 = arith.index_cast %scan3A_96 : i32 to index
      %swap3A_325 = arith.constant 96 : index
      %swap3A_326 = tpu.vector_load %arg12[%swap3A_323, %swap3A_324, %swap3A_325] {strides = array<i32>} : memref<3x128x128xf32, #tpu.memory_space<vmem>>, vector<16xf32>,
      tpu.vector_store %arg12[%swap3A_323, %swap3A_324, %swap3A_325], %broadcast_in_dim3A_50 {strides = array<i32>} : memref<3x128x128xf32, #tpu.memory_space<vmem>>, vector<16xf32>,
      %swap3A_327 = arith.constant 2 : i32
      %swap3A_328 = arith.index_cast %swap3A_327 : i32 to index
      %swap3A_329 = arith.index_cast %scan3A_96 : i32 to index
      %swap3A_330 = arith.constant 112 : index
      %swap3A_331 = tpu.vector_load %arg11[%swap3A_328, %swap3A_329, %swap3A_330] {strides = array<i32>} : memref<3x128x128xf32, #tpu.memory_space<vmem>>, vector<16xf32>,
      tpu.vector_store %arg11[%swap3A_328, %swap3A_329, %swap3A_330], %broadcast_in_dim3A_50 {strides = array<i32>} : memref<3x128x128xf32, #tpu.memory_space<vmem>>, vector<16xf32>,
      %swap3A_332 = arith.constant 2 : i32
      %swap3A_333 = arith.index_cast %swap3A_332 : i32 to index
      %swap3A_334 = arith.index_cast %scan3A_96 : i32 to index
      %swap3A_335 = arith.constant 112 : index
      %swap3A_336 = tpu.vector_load %arg12[%swap3A_333, %swap3A_334, %swap3A_335] {strides = array<i32>} : memref<3x128x128xf32, #tpu.memory_space<vmem>>, vector<16xf32>,
      tpu.vector_store %arg12[%swap3A_333, %swap3A_334, %swap3A_335], %broadcast_in_dim3A_50 {strides = array<i32>} : memref<3x128x128xf32, #tpu.memory_space<vmem>>, vector<16xf32>,
    }
    %scan3A_70 = arith.constant 128 : i32
    %scan3A_71 = arith.constant 0 : i32
    %scan3A_72 = arith.constant 0 : i32
    %scan3A_73 = arith.constant 14 : i32
    %scan3A_74 = arith.addi %scan3A_72, %scan3A_73 : i32
    %scan3A_75 = arith.constant 1 : i32
    scf.for %scan3A_96 = %scan3A_72 to %scan3A_74 step %scan3A_75  : i32 {
      %mul3A_97 = arith.constant 2 : i32
      %mul3A_98 = arith.muli %mul3A_97, %scan3A_96 : i32
      %gt3A = arith.constant 0 : i32
      %gt3A_99 = arith.cmpi sgt, %scan3A_96, %gt3A : i32
      %convert_element_type3A_100 = arith.extui %gt3A_99 : i1 to i32
      %cond3A = arith.constant 0 : i32
      %cond3A_101 = arith.cmpi ne, %convert_element_type3A_100, %cond3A : i32
      scf.if %cond3A_101 {
        %sub3A_181 = arith.constant 2 : i32
        %sub3A_182 = arith.subi %mul3A_98, %sub3A_181 : i32
        %mul3A_183 = arith.constant 3 : i32
        %mul3A_184 = arith.muli %sub3A_182, %mul3A_183 : i32
        %dma_wait3A_185 = arith.constant 0 : i32
        %dma_wait3A_186 = arith.constant 0 : i32
        %dma_wait3A_187 = tpu.memref_slice %arg3[%add3A, %mul3A_184, %dma_wait3A_185, %dma_wait3A_186] : memref<32x84x128x128xf32, #tpu.memory_space<hbm>> -> memref<1x3x128x128xf32, #tpu.memory_space<hbm>>
        %dma_wait3A_188 = tpu.memref_squeeze %dma_wait3A_187 : memref<1x3x128x128xf32, #tpu.memory_space<hbm>> -> memref<3x128x128xf32, #tpu.memory_space<hbm>>
        %dma_wait3A_189 = arith.constant 0 : i32
        %dma_wait3A_190 = arith.constant 0 : i32
        %dma_wait3A_191 = tpu.memref_slice %arg3[%add3A, %mul3A_184, %dma_wait3A_189, %dma_wait3A_190] : memref<32x84x128x128xf32, #tpu.memory_space<hbm>> -> memref<1x3x128x128xf32, #tpu.memory_space<hbm>>
        %dma_wait3A_192 = tpu.memref_squeeze %dma_wait3A_191 : memref<1x3x128x128xf32, #tpu.memory_space<hbm>> -> memref<3x128x128xf32, #tpu.memory_space<hbm>>
        tpu.wait_dma2 semaphore(%arg13 : memref<!tpu.dma_semaphore, #tpu.memory_space<semaphore_mem>>) src(%arg11 : memref<3x128x128xf32, #tpu.memory_space<vmem>>) dst(%dma_wait3A_192 : memref<3x128x128xf32, #tpu.memory_space<hbm>>)
        %sub3A_193 = arith.constant 2 : i32
        %sub3A_194 = arith.subi %mul3A_98, %sub3A_193 : i32
        %broadcast_in_dim3A_195 = vector.broadcast %sub3A_194 : i32 to vector<16xi32>
        %gather3A_196 = tpu.vector_load_idx %arg10[%broadcast_in_dim3A_195] : memref<32xi32, #tpu.memory_space<vmem>>[vector<16xi32>], vector<16xi32>,
        %reduce_max3A_197 = arith.constant true
        %reduce_max3A_198 = vector.broadcast %reduce_max3A_197 : i1 to vector<16xi1>
        %reduce_max3A_199 = arith.constant -2147483648 : i32
        %reduce_max3A_200 = vector.broadcast %reduce_max3A_199 : i32 to vector<16xi32>
        %reduce_max3A_201 = arith.xori %gather3A_196, %reduce_max3A_200 : vector<16xi32>
        %reduce_max3A_202 = tpu.scan <max>, %reduce_max3A_201 masked %reduce_max3A_198 : vector<16xi32>, vector<16xi1> -> vector<16xi32>
        %reduce_max3A_203 = arith.xori %reduce_max3A_202, %reduce_max3A_200 : vector<16xi32>
        %reduce_max3A_204 = vector.extract %reduce_max3A_203[15] : i32 from vector<16xi32>
        %mul3A_205 = arith.constant 3 : i32
        %mul3A_206 = arith.muli %sub3A_194, %mul3A_205 : i32
        %while3A_207 = arith.constant 0 : i32
        %while3A_208 = arith.constant 0 : i32
        %while3A_209 = arith.subi %reduce_max3A_204, %while3A_208 : i32
        %while3A_210 = arith.addi %while3A_208, %while3A_209 : i32
        %while3A_211 = arith.constant 1 : i32
        %while3A_212 = arith.divsi %while3A_209, %while3A_211 : i32
        %while3A_213 = arith.muli %while3A_212, %while3A_211 : i32
        %while3A_214 = arith.addi %while3A_208, %while3A_213 : i32
        %while3A_215 = arith.constant 1 : i32
        scf.for %while3A_217 = %while3A_208 to %while3A_214 step %while3A_215  : i32 {
          %mul3A_218 = arith.constant 128 : i32
          %mul3A_219 = vector.broadcast %mul3A_218 : i32 to vector<16xi32>
          %mul3A_220 = arith.muli %broadcast_in_dim3A_195, %mul3A_219 : vector<16xi32>
          %add3A_221 = vector.broadcast %while3A_217 : i32 to vector<16xi32>
          %add3A_222 = arith.addi %mul3A_220, %add3A_221 : vector<16xi32>
          %gather3A_223 = tpu.vector_load_idx %arg9[%add3A_222] : memref<3584xi32, #tpu.memory_space<vmem>>[vector<16xi32>], vector<16xi32>,
          %mul3A_224 = arith.constant 16 : i32
          %mul3A_225 = vector.broadcast %mul3A_224 : i32 to vector<16xi32>
          %mul3A_226 = arith.muli %gather3A_223, %mul3A_225 : vector<16xi32>
          %add3A_227 = arith.addi %mul3A_226, %iota3A : vector<16xi32>
          %gather3A_228 = tpu.vector_load_idx %arg5[%add3A_227] : memref<2048xi32, #tpu.memory_space<vmem>>[vector<16xi32>], vector<16xi32>,
          %shift_right_arithmetic3A = arith.constant 14 : i32
          %shift_right_arithmetic3A_229 = vector.broadcast %shift_right_arithmetic3A : i32 to vector<16xi32>
          %shift_right_arithmetic3A_230 = arith.shrsi %gather3A_228, %shift_right_arithmetic3A_229 : vector<16xi32>
          %sub3A_231 = vector.broadcast %mul3A_206 : i32 to vector<16xi32>
          %sub3A_232 = arith.subi %shift_right_arithmetic3A_230, %sub3A_231 : vector<16xi32>
          %shift_right_arithmetic3A_233 = arith.constant 7 : i32
          %shift_right_arithmetic3A_234 = vector.broadcast %shift_right_arithmetic3A_233 : i32 to vector<16xi32>
          %shift_right_arithmetic3A_235 = arith.shrsi %gather3A_228, %shift_right_arithmetic3A_234 : vector<16xi32>
          %and3A_236 = arith.constant 127 : i32
          %and3A_237 = vector.broadcast %and3A_236 : i32 to vector<16xi32>
          %and3A_238 = arith.andi %shift_right_arithmetic3A_235, %and3A_237 : vector<16xi32>
          %and3A_239 = arith.constant 127 : i32
          %and3A_240 = vector.broadcast %and3A_239 : i32 to vector<16xi32>
          %and3A_241 = arith.andi %gather3A_228, %and3A_240 : vector<16xi32>
          %ge3A_242 = arith.constant 0 : i32
          %ge3A_243 = vector.broadcast %ge3A_242 : i32 to vector<16xi32>
          %ge3A_244 = arith.cmpi sge, %sub3A_232, %ge3A_243 : vector<16xi32>
          %lt3A_245 = arith.constant 3 : i32
          %lt3A_246 = vector.broadcast %lt3A_245 : i32 to vector<16xi32>
          %lt3A_247 = arith.cmpi slt, %sub3A_232, %lt3A_246 : vector<16xi32>
          %and3A_248 = arith.andi %ge3A_244, %lt3A_247 : vector<16xi1>
          tpu.vector_store_idx %arg11[%sub3A_232, %and3A_238, %and3A_241], %broadcast_in_dim3A_50 masked %and3A_248 : memref<3x128x128xf32, #tpu.memory_space<vmem>>[vector<16xi32>, vector<16xi32>, vector<16xi32>], vector<16xf32>, vector<16xi1>
        }
        %while3A_216 = arith.constant 1 : i32
        scf.for %while3A_217 = %while3A_214 to %while3A_210 step %while3A_216  : i32 {
          %mul3A_218 = arith.constant 128 : i32
          %mul3A_219 = vector.broadcast %mul3A_218 : i32 to vector<16xi32>
          %mul3A_220 = arith.muli %broadcast_in_dim3A_195, %mul3A_219 : vector<16xi32>
          %add3A_221 = vector.broadcast %while3A_217 : i32 to vector<16xi32>
          %add3A_222 = arith.addi %mul3A_220, %add3A_221 : vector<16xi32>
          %gather3A_223 = tpu.vector_load_idx %arg9[%add3A_222] : memref<3584xi32, #tpu.memory_space<vmem>>[vector<16xi32>], vector<16xi32>,
          %mul3A_224 = arith.constant 16 : i32
          %mul3A_225 = vector.broadcast %mul3A_224 : i32 to vector<16xi32>
          %mul3A_226 = arith.muli %gather3A_223, %mul3A_225 : vector<16xi32>
          %add3A_227 = arith.addi %mul3A_226, %iota3A : vector<16xi32>
          %gather3A_228 = tpu.vector_load_idx %arg5[%add3A_227] : memref<2048xi32, #tpu.memory_space<vmem>>[vector<16xi32>], vector<16xi32>,
          %shift_right_arithmetic3A = arith.constant 14 : i32
          %shift_right_arithmetic3A_229 = vector.broadcast %shift_right_arithmetic3A : i32 to vector<16xi32>
          %shift_right_arithmetic3A_230 = arith.shrsi %gather3A_228, %shift_right_arithmetic3A_229 : vector<16xi32>
          %sub3A_231 = vector.broadcast %mul3A_206 : i32 to vector<16xi32>
          %sub3A_232 = arith.subi %shift_right_arithmetic3A_230, %sub3A_231 : vector<16xi32>
          %shift_right_arithmetic3A_233 = arith.constant 7 : i32
          %shift_right_arithmetic3A_234 = vector.broadcast %shift_right_arithmetic3A_233 : i32 to vector<16xi32>
          %shift_right_arithmetic3A_235 = arith.shrsi %gather3A_228, %shift_right_arithmetic3A_234 : vector<16xi32>
          %and3A_236 = arith.constant 127 : i32
          %and3A_237 = vector.broadcast %and3A_236 : i32 to vector<16xi32>
          %and3A_238 = arith.andi %shift_right_arithmetic3A_235, %and3A_237 : vector<16xi32>
          %and3A_239 = arith.constant 127 : i32
          %and3A_240 = vector.broadcast %and3A_239 : i32 to vector<16xi32>
          %and3A_241 = arith.andi %gather3A_228, %and3A_240 : vector<16xi32>
          %ge3A_242 = arith.constant 0 : i32
          %ge3A_243 = vector.broadcast %ge3A_242 : i32 to vector<16xi32>
          %ge3A_244 = arith.cmpi sge, %sub3A_232, %ge3A_243 : vector<16xi32>
          %lt3A_245 = arith.constant 3 : i32
          %lt3A_246 = vector.broadcast %lt3A_245 : i32 to vector<16xi32>
          %lt3A_247 = arith.cmpi slt, %sub3A_232, %lt3A_246 : vector<16xi32>
          %and3A_248 = arith.andi %ge3A_244, %lt3A_247 : vector<16xi1>
          tpu.vector_store_idx %arg11[%sub3A_232, %and3A_238, %and3A_241], %broadcast_in_dim3A_50 masked %and3A_248 : memref<3x128x128xf32, #tpu.memory_space<vmem>>[vector<16xi32>, vector<16xi32>, vector<16xi32>], vector<16xf32>, vector<16xi1>
        }
      } else {
      }
      %broadcast_in_dim3A_102 = vector.broadcast %mul3A_98 : i32 to vector<16xi32>
      %gather3A = tpu.vector_load_idx %arg10[%broadcast_in_dim3A_102] : memref<32xi32, #tpu.memory_space<vmem>>[vector<16xi32>], vector<16xi32>,
      %reduce_max3A = arith.constant true
      %reduce_max3A_103 = vector.broadcast %reduce_max3A : i1 to vector<16xi1>
      %reduce_max3A_104 = arith.constant -2147483648 : i32
      %reduce_max3A_105 = vector.broadcast %reduce_max3A_104 : i32 to vector<16xi32>
      %reduce_max3A_106 = arith.xori %gather3A, %reduce_max3A_105 : vector<16xi32>
      %reduce_max3A_107 = tpu.scan <max>, %reduce_max3A_106 masked %reduce_max3A_103 : vector<16xi32>, vector<16xi1> -> vector<16xi32>
      %reduce_max3A_108 = arith.xori %reduce_max3A_107, %reduce_max3A_105 : vector<16xi32>
      %reduce_max3A_109 = vector.extract %reduce_max3A_108[15] : i32 from vector<16xi32>
      %mul3A_110 = arith.constant 3 : i32
      %mul3A_111 = arith.muli %mul3A_98, %mul3A_110 : i32
      %while3A = arith.constant 0 : i32
      %while3A_112 = arith.constant 0 : i32
      %while3A_113 = arith.subi %reduce_max3A_109, %while3A_112 : i32
      %while3A_114 = arith.addi %while3A_112, %while3A_113 : i32
      %while3A_115 = arith.constant 1 : i32
      %while3A_116 = arith.divsi %while3A_113, %while3A_115 : i32
      %while3A_117 = arith.muli %while3A_116, %while3A_115 : i32
      %while3A_118 = arith.addi %while3A_112, %while3A_117 : i32
      %while3A_119 = arith.constant 1 : i32
      scf.for %while3A_181 = %while3A_112 to %while3A_118 step %while3A_119  : i32 {
        %mul3A_182 = arith.constant 128 : i32
        %mul3A_183 = vector.broadcast %mul3A_182 : i32 to vector<16xi32>
        %mul3A_184 = arith.muli %broadcast_in_dim3A_102, %mul3A_183 : vector<16xi32>
        %add3A_185 = vector.broadcast %while3A_181 : i32 to vector<16xi32>
        %add3A_186 = arith.addi %mul3A_184, %add3A_185 : vector<16xi32>
        %gather3A_187 = tpu.vector_load_idx %arg9[%add3A_186] : memref<3584xi32, #tpu.memory_space<vmem>>[vector<16xi32>], vector<16xi32>,
        %mul3A_188 = arith.constant 16 : i32
        %mul3A_189 = vector.broadcast %mul3A_188 : i32 to vector<16xi32>
        %mul3A_190 = arith.muli %gather3A_187, %mul3A_189 : vector<16xi32>
        %add3A_191 = arith.addi %mul3A_190, %iota3A : vector<16xi32>
        %gather3A_192 = tpu.vector_load_idx %arg5[%add3A_191] : memref<2048xi32, #tpu.memory_space<vmem>>[vector<16xi32>], vector<16xi32>,
        %shift_right_arithmetic3A = arith.constant 14 : i32
        %shift_right_arithmetic3A_193 = vector.broadcast %shift_right_arithmetic3A : i32 to vector<16xi32>
        %shift_right_arithmetic3A_194 = arith.shrsi %gather3A_192, %shift_right_arithmetic3A_193 : vector<16xi32>
        %sub3A_195 = vector.broadcast %mul3A_111 : i32 to vector<16xi32>
        %sub3A_196 = arith.subi %shift_right_arithmetic3A_194, %sub3A_195 : vector<16xi32>
        %shift_right_arithmetic3A_197 = arith.constant 7 : i32
        %shift_right_arithmetic3A_198 = vector.broadcast %shift_right_arithmetic3A_197 : i32 to vector<16xi32>
        %shift_right_arithmetic3A_199 = arith.shrsi %gather3A_192, %shift_right_arithmetic3A_198 : vector<16xi32>
        %and3A_200 = arith.constant 127 : i32
        %and3A_201 = vector.broadcast %and3A_200 : i32 to vector<16xi32>
        %and3A_202 = arith.andi %shift_right_arithmetic3A_199, %and3A_201 : vector<16xi32>
        %and3A_203 = arith.constant 127 : i32
        %and3A_204 = vector.broadcast %and3A_203 : i32 to vector<16xi32>
        %and3A_205 = arith.andi %gather3A_192, %and3A_204 : vector<16xi32>
        %ge3A_206 = arith.constant 0 : i32
        %ge3A_207 = vector.broadcast %ge3A_206 : i32 to vector<16xi32>
        %ge3A_208 = arith.cmpi sge, %sub3A_196, %ge3A_207 : vector<16xi32>
        %lt3A_209 = arith.constant 3 : i32
        %lt3A_210 = vector.broadcast %lt3A_209 : i32 to vector<16xi32>
        %lt3A_211 = arith.cmpi slt, %sub3A_196, %lt3A_210 : vector<16xi32>
        %and3A_212 = arith.andi %ge3A_208, %lt3A_211 : vector<16xi1>
        %mul3A_213 = arith.constant 16 : i32
        %mul3A_214 = vector.broadcast %mul3A_213 : i32 to vector<16xi32>
        %mul3A_215 = arith.muli %gather3A_187, %mul3A_214 : vector<16xi32>
        %add3A_216 = arith.addi %mul3A_215, %iota3A : vector<16xi32>
        %gather3A_217 = tpu.vector_load_idx %arg6[%add3A_216] : memref<2048xf32, #tpu.memory_space<vmem>>[vector<16xi32>], vector<16xf32>,
        tpu.vector_store_idx %arg11[%sub3A_196, %and3A_202, %and3A_205], %gather3A_217 masked %and3A_212 {add = true} : memref<3x128x128xf32, #tpu.memory_space<vmem>>[vector<16xi32>, vector<16xi32>, vector<16xi32>], vector<16xf32>, vector<16xi1>
      }
      %while3A_120 = arith.constant 1 : i32
      scf.for %while3A_181 = %while3A_118 to %while3A_114 step %while3A_120  : i32 {
        %mul3A_182 = arith.constant 128 : i32
        %mul3A_183 = vector.broadcast %mul3A_182 : i32 to vector<16xi32>
        %mul3A_184 = arith.muli %broadcast_in_dim3A_102, %mul3A_183 : vector<16xi32>
        %add3A_185 = vector.broadcast %while3A_181 : i32 to vector<16xi32>
        %add3A_186 = arith.addi %mul3A_184, %add3A_185 : vector<16xi32>
        %gather3A_187 = tpu.vector_load_idx %arg9[%add3A_186] : memref<3584xi32, #tpu.memory_space<vmem>>[vector<16xi32>], vector<16xi32>,
        %mul3A_188 = arith.constant 16 : i32
        %mul3A_189 = vector.broadcast %mul3A_188 : i32 to vector<16xi32>
        %mul3A_190 = arith.muli %gather3A_187, %mul3A_189 : vector<16xi32>
        %add3A_191 = arith.addi %mul3A_190, %iota3A : vector<16xi32>
        %gather3A_192 = tpu.vector_load_idx %arg5[%add3A_191] : memref<2048xi32, #tpu.memory_space<vmem>>[vector<16xi32>], vector<16xi32>,
        %shift_right_arithmetic3A = arith.constant 14 : i32
        %shift_right_arithmetic3A_193 = vector.broadcast %shift_right_arithmetic3A : i32 to vector<16xi32>
        %shift_right_arithmetic3A_194 = arith.shrsi %gather3A_192, %shift_right_arithmetic3A_193 : vector<16xi32>
        %sub3A_195 = vector.broadcast %mul3A_111 : i32 to vector<16xi32>
        %sub3A_196 = arith.subi %shift_right_arithmetic3A_194, %sub3A_195 : vector<16xi32>
        %shift_right_arithmetic3A_197 = arith.constant 7 : i32
        %shift_right_arithmetic3A_198 = vector.broadcast %shift_right_arithmetic3A_197 : i32 to vector<16xi32>
        %shift_right_arithmetic3A_199 = arith.shrsi %gather3A_192, %shift_right_arithmetic3A_198 : vector<16xi32>
        %and3A_200 = arith.constant 127 : i32
        %and3A_201 = vector.broadcast %and3A_200 : i32 to vector<16xi32>
        %and3A_202 = arith.andi %shift_right_arithmetic3A_199, %and3A_201 : vector<16xi32>
        %and3A_203 = arith.constant 127 : i32
        %and3A_204 = vector.broadcast %and3A_203 : i32 to vector<16xi32>
        %and3A_205 = arith.andi %gather3A_192, %and3A_204 : vector<16xi32>
        %ge3A_206 = arith.constant 0 : i32
        %ge3A_207 = vector.broadcast %ge3A_206 : i32 to vector<16xi32>
        %ge3A_208 = arith.cmpi sge, %sub3A_196, %ge3A_207 : vector<16xi32>
        %lt3A_209 = arith.constant 3 : i32
        %lt3A_210 = vector.broadcast %lt3A_209 : i32 to vector<16xi32>
        %lt3A_211 = arith.cmpi slt, %sub3A_196, %lt3A_210 : vector<16xi32>
        %and3A_212 = arith.andi %ge3A_208, %lt3A_211 : vector<16xi1>
        %mul3A_213 = arith.constant 16 : i32
        %mul3A_214 = vector.broadcast %mul3A_213 : i32 to vector<16xi32>
        %mul3A_215 = arith.muli %gather3A_187, %mul3A_214 : vector<16xi32>
        %add3A_216 = arith.addi %mul3A_215, %iota3A : vector<16xi32>
        %gather3A_217 = tpu.vector_load_idx %arg6[%add3A_216] : memref<2048xf32, #tpu.memory_space<vmem>>[vector<16xi32>], vector<16xf32>,
        tpu.vector_store_idx %arg11[%sub3A_196, %and3A_202, %and3A_205], %gather3A_217 masked %and3A_212 {add = true} : memref<3x128x128xf32, #tpu.memory_space<vmem>>[vector<16xi32>, vector<16xi32>, vector<16xi32>], vector<16xf32>, vector<16xi1>
      }
      %eq3A_121 = arith.constant 26 : i32
      %eq3A_122 = arith.cmpi eq, %mul3A_98, %eq3A_121 : i32
      %convert_element_type3A_123 = arith.extui %eq3A_122 : i1 to i32
      %cond3A_124 = arith.constant 0 : i32
      %cond3A_125 = arith.cmpi ne, %convert_element_type3A_123, %cond3A_124 : i32
      scf.if %cond3A_125 {
        %scan3A_181 = arith.constant 0 : i32
        %scan3A_182 = arith.constant 0 : i32
        %scan3A_183 = arith.constant 32 : i32
        %scan3A_184 = arith.addi %scan3A_182, %scan3A_183 : i32
        %scan3A_185 = arith.constant 1 : i32
        scf.for %scan3A_187 = %scan3A_182 to %scan3A_184 step %scan3A_185  : i32 {
          %mul3A_188 = arith.constant 4 : i32
          %mul3A_189 = arith.muli %scan3A_187, %mul3A_188 : i32
          %add3A_190 = arith.constant 0 : i32
          %add3A_191 = arith.addi %mul3A_189, %add3A_190 : i32
          %mul3A_192 = arith.constant 16 : i32
          %mul3A_193 = arith.muli %add3A_191, %mul3A_192 : i32
          %get3A = arith.index_cast %mul3A_193 : i32 to index
          %get3A_194 = tpu.vector_load %arg7[%get3A] {strides = array<i32>} : memref<2048xi32, #tpu.memory_space<vmem>>, vector<16xi32>,
          %shift_right_arithmetic3A = arith.constant 14 : i32
          %shift_right_arithmetic3A_195 = vector.broadcast %shift_right_arithmetic3A : i32 to vector<16xi32>
          %shift_right_arithmetic3A_196 = arith.shrsi %get3A_194, %shift_right_arithmetic3A_195 : vector<16xi32>
          %sub3A_197 = arith.constant 78 : i32
          %sub3A_198 = vector.broadcast %sub3A_197 : i32 to vector<16xi32>
          %sub3A_199 = arith.subi %shift_right_arithmetic3A_196, %sub3A_198 : vector<16xi32>
          %shift_right_arithmetic3A_200 = arith.constant 7 : i32
          %shift_right_arithmetic3A_201 = vector.broadcast %shift_right_arithmetic3A_200 : i32 to vector<16xi32>
          %shift_right_arithmetic3A_202 = arith.shrsi %get3A_194, %shift_right_arithmetic3A_201 : vector<16xi32>
          %and3A_203 = arith.constant 127 : i32
          %and3A_204 = vector.broadcast %and3A_203 : i32 to vector<16xi32>
          %and3A_205 = arith.andi %shift_right_arithmetic3A_202, %and3A_204 : vector<16xi32>
          %and3A_206 = arith.constant 127 : i32
          %and3A_207 = vector.broadcast %and3A_206 : i32 to vector<16xi32>
          %and3A_208 = arith.andi %get3A_194, %and3A_207 : vector<16xi32>
          %ge3A_209 = arith.constant 0 : i32
          %ge3A_210 = vector.broadcast %ge3A_209 : i32 to vector<16xi32>
          %ge3A_211 = arith.cmpi sge, %sub3A_199, %ge3A_210 : vector<16xi32>
          %lt3A_212 = arith.constant 3 : i32
          %lt3A_213 = vector.broadcast %lt3A_212 : i32 to vector<16xi32>
          %lt3A_214 = arith.cmpi slt, %sub3A_199, %lt3A_213 : vector<16xi32>
          %and3A_215 = arith.andi %ge3A_211, %lt3A_214 : vector<16xi1>
          %get3A_216 = arith.index_cast %mul3A_193 : i32 to index
          %get3A_217 = tpu.vector_load %arg8[%get3A_216] {strides = array<i32>} : memref<2048xf32, #tpu.memory_space<vmem>>, vector<16xf32>,
          tpu.vector_store_idx %arg11[%sub3A_199, %and3A_205, %and3A_208], %get3A_217 masked %and3A_215 {add = true} : memref<3x128x128xf32, #tpu.memory_space<vmem>>[vector<16xi32>, vector<16xi32>, vector<16xi32>], vector<16xf32>, vector<16xi1>
          %mul3A_218 = arith.constant 4 : i32
          %mul3A_219 = arith.muli %scan3A_187, %mul3A_218 : i32
          %add3A_220 = arith.constant 1 : i32
          %add3A_221 = arith.addi %mul3A_219, %add3A_220 : i32
          %mul3A_222 = arith.constant 16 : i32
          %mul3A_223 = arith.muli %add3A_221, %mul3A_222 : i32
          %get3A_224 = arith.index_cast %mul3A_223 : i32 to index
          %get3A_225 = tpu.vector_load %arg7[%get3A_224] {strides = array<i32>} : memref<2048xi32, #tpu.memory_space<vmem>>, vector<16xi32>,
          %shift_right_arithmetic3A_226 = arith.constant 14 : i32
          %shift_right_arithmetic3A_227 = vector.broadcast %shift_right_arithmetic3A_226 : i32 to vector<16xi32>
          %shift_right_arithmetic3A_228 = arith.shrsi %get3A_225, %shift_right_arithmetic3A_227 : vector<16xi32>
          %sub3A_229 = arith.constant 78 : i32
          %sub3A_230 = vector.broadcast %sub3A_229 : i32 to vector<16xi32>
          %sub3A_231 = arith.subi %shift_right_arithmetic3A_228, %sub3A_230 : vector<16xi32>
          %shift_right_arithmetic3A_232 = arith.constant 7 : i32
          %shift_right_arithmetic3A_233 = vector.broadcast %shift_right_arithmetic3A_232 : i32 to vector<16xi32>
          %shift_right_arithmetic3A_234 = arith.shrsi %get3A_225, %shift_right_arithmetic3A_233 : vector<16xi32>
          %and3A_235 = arith.constant 127 : i32
          %and3A_236 = vector.broadcast %and3A_235 : i32 to vector<16xi32>
          %and3A_237 = arith.andi %shift_right_arithmetic3A_234, %and3A_236 : vector<16xi32>
          %and3A_238 = arith.constant 127 : i32
          %and3A_239 = vector.broadcast %and3A_238 : i32 to vector<16xi32>
          %and3A_240 = arith.andi %get3A_225, %and3A_239 : vector<16xi32>
          %ge3A_241 = arith.constant 0 : i32
          %ge3A_242 = vector.broadcast %ge3A_241 : i32 to vector<16xi32>
          %ge3A_243 = arith.cmpi sge, %sub3A_231, %ge3A_242 : vector<16xi32>
          %lt3A_244 = arith.constant 3 : i32
          %lt3A_245 = vector.broadcast %lt3A_244 : i32 to vector<16xi32>
          %lt3A_246 = arith.cmpi slt, %sub3A_231, %lt3A_245 : vector<16xi32>
          %and3A_247 = arith.andi %ge3A_243, %lt3A_246 : vector<16xi1>
          %get3A_248 = arith.index_cast %mul3A_223 : i32 to index
          %get3A_249 = tpu.vector_load %arg8[%get3A_248] {strides = array<i32>} : memref<2048xf32, #tpu.memory_space<vmem>>, vector<16xf32>,
          tpu.vector_store_idx %arg11[%sub3A_231, %and3A_237, %and3A_240], %get3A_249 masked %and3A_247 {add = true} : memref<3x128x128xf32, #tpu.memory_space<vmem>>[vector<16xi32>, vector<16xi32>, vector<16xi32>], vector<16xf32>, vector<16xi1>
          %mul3A_250 = arith.constant 4 : i32
          %mul3A_251 = arith.muli %scan3A_187, %mul3A_250 : i32
          %add3A_252 = arith.constant 2 : i32
          %add3A_253 = arith.addi %mul3A_251, %add3A_252 : i32
          %mul3A_254 = arith.constant 16 : i32
          %mul3A_255 = arith.muli %add3A_253, %mul3A_254 : i32
          %get3A_256 = arith.index_cast %mul3A_255 : i32 to index
          %get3A_257 = tpu.vector_load %arg7[%get3A_256] {strides = array<i32>} : memref<2048xi32, #tpu.memory_space<vmem>>, vector<16xi32>,
          %shift_right_arithmetic3A_258 = arith.constant 14 : i32
          %shift_right_arithmetic3A_259 = vector.broadcast %shift_right_arithmetic3A_258 : i32 to vector<16xi32>
          %shift_right_arithmetic3A_260 = arith.shrsi %get3A_257, %shift_right_arithmetic3A_259 : vector<16xi32>
          %sub3A_261 = arith.constant 78 : i32
          %sub3A_262 = vector.broadcast %sub3A_261 : i32 to vector<16xi32>
          %sub3A_263 = arith.subi %shift_right_arithmetic3A_260, %sub3A_262 : vector<16xi32>
          %shift_right_arithmetic3A_264 = arith.constant 7 : i32
          %shift_right_arithmetic3A_265 = vector.broadcast %shift_right_arithmetic3A_264 : i32 to vector<16xi32>
          %shift_right_arithmetic3A_266 = arith.shrsi %get3A_257, %shift_right_arithmetic3A_265 : vector<16xi32>
          %and3A_267 = arith.constant 127 : i32
          %and3A_268 = vector.broadcast %and3A_267 : i32 to vector<16xi32>
          %and3A_269 = arith.andi %shift_right_arithmetic3A_266, %and3A_268 : vector<16xi32>
          %and3A_270 = arith.constant 127 : i32
          %and3A_271 = vector.broadcast %and3A_270 : i32 to vector<16xi32>
          %and3A_272 = arith.andi %get3A_257, %and3A_271 : vector<16xi32>
          %ge3A_273 = arith.constant 0 : i32
          %ge3A_274 = vector.broadcast %ge3A_273 : i32 to vector<16xi32>
          %ge3A_275 = arith.cmpi sge, %sub3A_263, %ge3A_274 : vector<16xi32>
          %lt3A_276 = arith.constant 3 : i32
          %lt3A_277 = vector.broadcast %lt3A_276 : i32 to vector<16xi32>
          %lt3A_278 = arith.cmpi slt, %sub3A_263, %lt3A_277 : vector<16xi32>
          %and3A_279 = arith.andi %ge3A_275, %lt3A_278 : vector<16xi1>
          %get3A_280 = arith.index_cast %mul3A_255 : i32 to index
          %get3A_281 = tpu.vector_load %arg8[%get3A_280] {strides = array<i32>} : memref<2048xf32, #tpu.memory_space<vmem>>, vector<16xf32>,
          tpu.vector_store_idx %arg11[%sub3A_263, %and3A_269, %and3A_272], %get3A_281 masked %and3A_279 {add = true} : memref<3x128x128xf32, #tpu.memory_space<vmem>>[vector<16xi32>, vector<16xi32>, vector<16xi32>], vector<16xf32>, vector<16xi1>
          %mul3A_282 = arith.constant 4 : i32
          %mul3A_283 = arith.muli %scan3A_187, %mul3A_282 : i32
          %add3A_284 = arith.constant 3 : i32
          %add3A_285 = arith.addi %mul3A_283, %add3A_284 : i32
          %mul3A_286 = arith.constant 16 : i32
          %mul3A_287 = arith.muli %add3A_285, %mul3A_286 : i32
          %get3A_288 = arith.index_cast %mul3A_287 : i32 to index
          %get3A_289 = tpu.vector_load %arg7[%get3A_288] {strides = array<i32>} : memref<2048xi32, #tpu.memory_space<vmem>>, vector<16xi32>,
          %shift_right_arithmetic3A_290 = arith.constant 14 : i32
          %shift_right_arithmetic3A_291 = vector.broadcast %shift_right_arithmetic3A_290 : i32 to vector<16xi32>
          %shift_right_arithmetic3A_292 = arith.shrsi %get3A_289, %shift_right_arithmetic3A_291 : vector<16xi32>
          %sub3A_293 = arith.constant 78 : i32
          %sub3A_294 = vector.broadcast %sub3A_293 : i32 to vector<16xi32>
          %sub3A_295 = arith.subi %shift_right_arithmetic3A_292, %sub3A_294 : vector<16xi32>
          %shift_right_arithmetic3A_296 = arith.constant 7 : i32
          %shift_right_arithmetic3A_297 = vector.broadcast %shift_right_arithmetic3A_296 : i32 to vector<16xi32>
          %shift_right_arithmetic3A_298 = arith.shrsi %get3A_289, %shift_right_arithmetic3A_297 : vector<16xi32>
          %and3A_299 = arith.constant 127 : i32
          %and3A_300 = vector.broadcast %and3A_299 : i32 to vector<16xi32>
          %and3A_301 = arith.andi %shift_right_arithmetic3A_298, %and3A_300 : vector<16xi32>
          %and3A_302 = arith.constant 127 : i32
          %and3A_303 = vector.broadcast %and3A_302 : i32 to vector<16xi32>
          %and3A_304 = arith.andi %get3A_289, %and3A_303 : vector<16xi32>
          %ge3A_305 = arith.constant 0 : i32
          %ge3A_306 = vector.broadcast %ge3A_305 : i32 to vector<16xi32>
          %ge3A_307 = arith.cmpi sge, %sub3A_295, %ge3A_306 : vector<16xi32>
          %lt3A_308 = arith.constant 3 : i32
          %lt3A_309 = vector.broadcast %lt3A_308 : i32 to vector<16xi32>
          %lt3A_310 = arith.cmpi slt, %sub3A_295, %lt3A_309 : vector<16xi32>
          %and3A_311 = arith.andi %ge3A_307, %lt3A_310 : vector<16xi1>
          %get3A_312 = arith.index_cast %mul3A_287 : i32 to index
          %get3A_313 = tpu.vector_load %arg8[%get3A_312] {strides = array<i32>} : memref<2048xf32, #tpu.memory_space<vmem>>, vector<16xf32>,
          tpu.vector_store_idx %arg11[%sub3A_295, %and3A_301, %and3A_304], %get3A_313 masked %and3A_311 {add = true} : memref<3x128x128xf32, #tpu.memory_space<vmem>>[vector<16xi32>, vector<16xi32>, vector<16xi32>], vector<16xf32>, vector<16xi1>
        }
        %scan3A_186 = arith.constant 32 : i32
      } else {
      }
      %mul3A_126 = arith.constant 3 : i32
      %mul3A_127 = arith.muli %mul3A_98, %mul3A_126 : i32
      %dma_start3A = arith.constant 0 : i32
      %dma_start3A_128 = arith.constant 0 : i32
      %dma_start3A_129 = tpu.memref_slice %arg3[%add3A, %mul3A_127, %dma_start3A, %dma_start3A_128] : memref<32x84x128x128xf32, #tpu.memory_space<hbm>> -> memref<1x3x128x128xf32, #tpu.memory_space<hbm>>
      %dma_start3A_130 = tpu.memref_squeeze %dma_start3A_129 : memref<1x3x128x128xf32, #tpu.memory_space<hbm>> -> memref<3x128x128xf32, #tpu.memory_space<hbm>>
      %dma_start3A_131 = arith.constant 0 : i32
      %dma_start3A_132 = arith.constant 0 : i32
      %dma_start3A_133 = tpu.memref_slice %arg3[%add3A, %mul3A_127, %dma_start3A_131, %dma_start3A_132] : memref<32x84x128x128xf32, #tpu.memory_space<hbm>> -> memref<1x3x128x128xf32, #tpu.memory_space<hbm>>
      %dma_start3A_134 = tpu.memref_squeeze %dma_start3A_133 : memref<1x3x128x128xf32, #tpu.memory_space<hbm>> -> memref<3x128x128xf32, #tpu.memory_space<hbm>>
      tpu.enqueue_dma source(%arg11 : memref<3x128x128xf32, #tpu.memory_space<vmem>>) target(%dma_start3A_134 : memref<3x128x128xf32, #tpu.memory_space<hbm>>) target_semaphore(%arg13 : memref<!tpu.dma_semaphore, #tpu.memory_space<semaphore_mem>>)
      %gt3A_135 = arith.constant 0 : i32
      %gt3A_136 = arith.cmpi sgt, %scan3A_96, %gt3A_135 : i32
      %convert_element_type3A_137 = arith.extui %gt3A_136 : i1 to i32
      %cond3A_138 = arith.constant 0 : i32
      %cond3A_139 = arith.cmpi ne, %convert_element_type3A_137, %cond3A_138 : i32
      scf.if %cond3A_139 {
        %sub3A_181 = arith.constant 1 : i32
        %sub3A_182 = arith.subi %mul3A_98, %sub3A_181 : i32
        %mul3A_183 = arith.constant 3 : i32
        %mul3A_184 = arith.muli %sub3A_182, %mul3A_183 : i32
        %dma_wait3A_185 = arith.constant 0 : i32
        %dma_wait3A_186 = arith.constant 0 : i32
        %dma_wait3A_187 = tpu.memref_slice %arg3[%add3A, %mul3A_184, %dma_wait3A_185, %dma_wait3A_186] : memref<32x84x128x128xf32, #tpu.memory_space<hbm>> -> memref<1x3x128x128xf32, #tpu.memory_space<hbm>>
        %dma_wait3A_188 = tpu.memref_squeeze %dma_wait3A_187 : memref<1x3x128x128xf32, #tpu.memory_space<hbm>> -> memref<3x128x128xf32, #tpu.memory_space<hbm>>
        %dma_wait3A_189 = arith.constant 0 : i32
        %dma_wait3A_190 = arith.constant 0 : i32
        %dma_wait3A_191 = tpu.memref_slice %arg3[%add3A, %mul3A_184, %dma_wait3A_189, %dma_wait3A_190] : memref<32x84x128x128xf32, #tpu.memory_space<hbm>> -> memref<1x3x128x128xf32, #tpu.memory_space<hbm>>
        %dma_wait3A_192 = tpu.memref_squeeze %dma_wait3A_191 : memref<1x3x128x128xf32, #tpu.memory_space<hbm>> -> memref<3x128x128xf32, #tpu.memory_space<hbm>>
        tpu.wait_dma2 semaphore(%arg14 : memref<!tpu.dma_semaphore, #tpu.memory_space<semaphore_mem>>) src(%arg12 : memref<3x128x128xf32, #tpu.memory_space<vmem>>) dst(%dma_wait3A_192 : memref<3x128x128xf32, #tpu.memory_space<hbm>>)
        %sub3A_193 = arith.constant 1 : i32
        %sub3A_194 = arith.subi %mul3A_98, %sub3A_193 : i32
        %broadcast_in_dim3A_195 = vector.broadcast %sub3A_194 : i32 to vector<16xi32>
        %gather3A_196 = tpu.vector_load_idx %arg10[%broadcast_in_dim3A_195] : memref<32xi32, #tpu.memory_space<vmem>>[vector<16xi32>], vector<16xi32>,
        %reduce_max3A_197 = arith.constant true
        %reduce_max3A_198 = vector.broadcast %reduce_max3A_197 : i1 to vector<16xi1>
        %reduce_max3A_199 = arith.constant -2147483648 : i32
        %reduce_max3A_200 = vector.broadcast %reduce_max3A_199 : i32 to vector<16xi32>
        %reduce_max3A_201 = arith.xori %gather3A_196, %reduce_max3A_200 : vector<16xi32>
        %reduce_max3A_202 = tpu.scan <max>, %reduce_max3A_201 masked %reduce_max3A_198 : vector<16xi32>, vector<16xi1> -> vector<16xi32>
        %reduce_max3A_203 = arith.xori %reduce_max3A_202, %reduce_max3A_200 : vector<16xi32>
        %reduce_max3A_204 = vector.extract %reduce_max3A_203[15] : i32 from vector<16xi32>
        %mul3A_205 = arith.constant 3 : i32
        %mul3A_206 = arith.muli %sub3A_194, %mul3A_205 : i32
        %while3A_207 = arith.constant 0 : i32
        %while3A_208 = arith.constant 0 : i32
        %while3A_209 = arith.subi %reduce_max3A_204, %while3A_208 : i32
        %while3A_210 = arith.addi %while3A_208, %while3A_209 : i32
        %while3A_211 = arith.constant 1 : i32
        %while3A_212 = arith.divsi %while3A_209, %while3A_211 : i32
        %while3A_213 = arith.muli %while3A_212, %while3A_211 : i32
        %while3A_214 = arith.addi %while3A_208, %while3A_213 : i32
        %while3A_215 = arith.constant 1 : i32
        scf.for %while3A_217 = %while3A_208 to %while3A_214 step %while3A_215  : i32 {
          %mul3A_218 = arith.constant 128 : i32
          %mul3A_219 = vector.broadcast %mul3A_218 : i32 to vector<16xi32>
          %mul3A_220 = arith.muli %broadcast_in_dim3A_195, %mul3A_219 : vector<16xi32>
          %add3A_221 = vector.broadcast %while3A_217 : i32 to vector<16xi32>
          %add3A_222 = arith.addi %mul3A_220, %add3A_221 : vector<16xi32>
          %gather3A_223 = tpu.vector_load_idx %arg9[%add3A_222] : memref<3584xi32, #tpu.memory_space<vmem>>[vector<16xi32>], vector<16xi32>,
          %mul3A_224 = arith.constant 16 : i32
          %mul3A_225 = vector.broadcast %mul3A_224 : i32 to vector<16xi32>
          %mul3A_226 = arith.muli %gather3A_223, %mul3A_225 : vector<16xi32>
          %add3A_227 = arith.addi %mul3A_226, %iota3A : vector<16xi32>
          %gather3A_228 = tpu.vector_load_idx %arg5[%add3A_227] : memref<2048xi32, #tpu.memory_space<vmem>>[vector<16xi32>], vector<16xi32>,
          %shift_right_arithmetic3A = arith.constant 14 : i32
          %shift_right_arithmetic3A_229 = vector.broadcast %shift_right_arithmetic3A : i32 to vector<16xi32>
          %shift_right_arithmetic3A_230 = arith.shrsi %gather3A_228, %shift_right_arithmetic3A_229 : vector<16xi32>
          %sub3A_231 = vector.broadcast %mul3A_206 : i32 to vector<16xi32>
          %sub3A_232 = arith.subi %shift_right_arithmetic3A_230, %sub3A_231 : vector<16xi32>
          %shift_right_arithmetic3A_233 = arith.constant 7 : i32
          %shift_right_arithmetic3A_234 = vector.broadcast %shift_right_arithmetic3A_233 : i32 to vector<16xi32>
          %shift_right_arithmetic3A_235 = arith.shrsi %gather3A_228, %shift_right_arithmetic3A_234 : vector<16xi32>
          %and3A_236 = arith.constant 127 : i32
          %and3A_237 = vector.broadcast %and3A_236 : i32 to vector<16xi32>
          %and3A_238 = arith.andi %shift_right_arithmetic3A_235, %and3A_237 : vector<16xi32>
          %and3A_239 = arith.constant 127 : i32
          %and3A_240 = vector.broadcast %and3A_239 : i32 to vector<16xi32>
          %and3A_241 = arith.andi %gather3A_228, %and3A_240 : vector<16xi32>
          %ge3A_242 = arith.constant 0 : i32
          %ge3A_243 = vector.broadcast %ge3A_242 : i32 to vector<16xi32>
          %ge3A_244 = arith.cmpi sge, %sub3A_232, %ge3A_243 : vector<16xi32>
          %lt3A_245 = arith.constant 3 : i32
          %lt3A_246 = vector.broadcast %lt3A_245 : i32 to vector<16xi32>
          %lt3A_247 = arith.cmpi slt, %sub3A_232, %lt3A_246 : vector<16xi32>
          %and3A_248 = arith.andi %ge3A_244, %lt3A_247 : vector<16xi1>
          tpu.vector_store_idx %arg12[%sub3A_232, %and3A_238, %and3A_241], %broadcast_in_dim3A_50 masked %and3A_248 : memref<3x128x128xf32, #tpu.memory_space<vmem>>[vector<16xi32>, vector<16xi32>, vector<16xi32>], vector<16xf32>, vector<16xi1>
        }
        %while3A_216 = arith.constant 1 : i32
        scf.for %while3A_217 = %while3A_214 to %while3A_210 step %while3A_216  : i32 {
          %mul3A_218 = arith.constant 128 : i32
          %mul3A_219 = vector.broadcast %mul3A_218 : i32 to vector<16xi32>
          %mul3A_220 = arith.muli %broadcast_in_dim3A_195, %mul3A_219 : vector<16xi32>
          %add3A_221 = vector.broadcast %while3A_217 : i32 to vector<16xi32>
          %add3A_222 = arith.addi %mul3A_220, %add3A_221 : vector<16xi32>
          %gather3A_223 = tpu.vector_load_idx %arg9[%add3A_222] : memref<3584xi32, #tpu.memory_space<vmem>>[vector<16xi32>], vector<16xi32>,
          %mul3A_224 = arith.constant 16 : i32
          %mul3A_225 = vector.broadcast %mul3A_224 : i32 to vector<16xi32>
          %mul3A_226 = arith.muli %gather3A_223, %mul3A_225 : vector<16xi32>
          %add3A_227 = arith.addi %mul3A_226, %iota3A : vector<16xi32>
          %gather3A_228 = tpu.vector_load_idx %arg5[%add3A_227] : memref<2048xi32, #tpu.memory_space<vmem>>[vector<16xi32>], vector<16xi32>,
          %shift_right_arithmetic3A = arith.constant 14 : i32
          %shift_right_arithmetic3A_229 = vector.broadcast %shift_right_arithmetic3A : i32 to vector<16xi32>
          %shift_right_arithmetic3A_230 = arith.shrsi %gather3A_228, %shift_right_arithmetic3A_229 : vector<16xi32>
          %sub3A_231 = vector.broadcast %mul3A_206 : i32 to vector<16xi32>
          %sub3A_232 = arith.subi %shift_right_arithmetic3A_230, %sub3A_231 : vector<16xi32>
          %shift_right_arithmetic3A_233 = arith.constant 7 : i32
          %shift_right_arithmetic3A_234 = vector.broadcast %shift_right_arithmetic3A_233 : i32 to vector<16xi32>
          %shift_right_arithmetic3A_235 = arith.shrsi %gather3A_228, %shift_right_arithmetic3A_234 : vector<16xi32>
          %and3A_236 = arith.constant 127 : i32
          %and3A_237 = vector.broadcast %and3A_236 : i32 to vector<16xi32>
          %and3A_238 = arith.andi %shift_right_arithmetic3A_235, %and3A_237 : vector<16xi32>
          %and3A_239 = arith.constant 127 : i32
          %and3A_240 = vector.broadcast %and3A_239 : i32 to vector<16xi32>
          %and3A_241 = arith.andi %gather3A_228, %and3A_240 : vector<16xi32>
          %ge3A_242 = arith.constant 0 : i32
          %ge3A_243 = vector.broadcast %ge3A_242 : i32 to vector<16xi32>
          %ge3A_244 = arith.cmpi sge, %sub3A_232, %ge3A_243 : vector<16xi32>
          %lt3A_245 = arith.constant 3 : i32
          %lt3A_246 = vector.broadcast %lt3A_245 : i32 to vector<16xi32>
          %lt3A_247 = arith.cmpi slt, %sub3A_232, %lt3A_246 : vector<16xi32>
          %and3A_248 = arith.andi %ge3A_244, %lt3A_247 : vector<16xi1>
          tpu.vector_store_idx %arg12[%sub3A_232, %and3A_238, %and3A_241], %broadcast_in_dim3A_50 masked %and3A_248 : memref<3x128x128xf32, #tpu.memory_space<vmem>>[vector<16xi32>, vector<16xi32>, vector<16xi32>], vector<16xf32>, vector<16xi1>
        }
      } else {
      }
      %add3A_140 = arith.constant 1 : i32
      %add3A_141 = arith.addi %mul3A_98, %add3A_140 : i32
      %broadcast_in_dim3A_142 = vector.broadcast %add3A_141 : i32 to vector<16xi32>
      %gather3A_143 = tpu.vector_load_idx %arg10[%broadcast_in_dim3A_142] : memref<32xi32, #tpu.memory_space<vmem>>[vector<16xi32>], vector<16xi32>,
      %reduce_max3A_144 = arith.constant true
      %reduce_max3A_145 = vector.broadcast %reduce_max3A_144 : i1 to vector<16xi1>
      %reduce_max3A_146 = arith.constant -2147483648 : i32
      %reduce_max3A_147 = vector.broadcast %reduce_max3A_146 : i32 to vector<16xi32>
      %reduce_max3A_148 = arith.xori %gather3A_143, %reduce_max3A_147 : vector<16xi32>
      %reduce_max3A_149 = tpu.scan <max>, %reduce_max3A_148 masked %reduce_max3A_145 : vector<16xi32>, vector<16xi1> -> vector<16xi32>
      %reduce_max3A_150 = arith.xori %reduce_max3A_149, %reduce_max3A_147 : vector<16xi32>
      %reduce_max3A_151 = vector.extract %reduce_max3A_150[15] : i32 from vector<16xi32>
      %mul3A_152 = arith.constant 3 : i32
      %mul3A_153 = arith.muli %add3A_141, %mul3A_152 : i32
      %while3A_154 = arith.constant 0 : i32
      %while3A_155 = arith.constant 0 : i32
      %while3A_156 = arith.subi %reduce_max3A_151, %while3A_155 : i32
      %while3A_157 = arith.addi %while3A_155, %while3A_156 : i32
      %while3A_158 = arith.constant 1 : i32
      %while3A_159 = arith.divsi %while3A_156, %while3A_158 : i32
      %while3A_160 = arith.muli %while3A_159, %while3A_158 : i32
      %while3A_161 = arith.addi %while3A_155, %while3A_160 : i32
      %while3A_162 = arith.constant 1 : i32
      scf.for %while3A_181 = %while3A_155 to %while3A_161 step %while3A_162  : i32 {
        %mul3A_182 = arith.constant 128 : i32
        %mul3A_183 = vector.broadcast %mul3A_182 : i32 to vector<16xi32>
        %mul3A_184 = arith.muli %broadcast_in_dim3A_142, %mul3A_183 : vector<16xi32>
        %add3A_185 = vector.broadcast %while3A_181 : i32 to vector<16xi32>
        %add3A_186 = arith.addi %mul3A_184, %add3A_185 : vector<16xi32>
        %gather3A_187 = tpu.vector_load_idx %arg9[%add3A_186] : memref<3584xi32, #tpu.memory_space<vmem>>[vector<16xi32>], vector<16xi32>,
        %mul3A_188 = arith.constant 16 : i32
        %mul3A_189 = vector.broadcast %mul3A_188 : i32 to vector<16xi32>
        %mul3A_190 = arith.muli %gather3A_187, %mul3A_189 : vector<16xi32>
        %add3A_191 = arith.addi %mul3A_190, %iota3A : vector<16xi32>
        %gather3A_192 = tpu.vector_load_idx %arg5[%add3A_191] : memref<2048xi32, #tpu.memory_space<vmem>>[vector<16xi32>], vector<16xi32>,
        %shift_right_arithmetic3A = arith.constant 14 : i32
        %shift_right_arithmetic3A_193 = vector.broadcast %shift_right_arithmetic3A : i32 to vector<16xi32>
        %shift_right_arithmetic3A_194 = arith.shrsi %gather3A_192, %shift_right_arithmetic3A_193 : vector<16xi32>
        %sub3A_195 = vector.broadcast %mul3A_153 : i32 to vector<16xi32>
        %sub3A_196 = arith.subi %shift_right_arithmetic3A_194, %sub3A_195 : vector<16xi32>
        %shift_right_arithmetic3A_197 = arith.constant 7 : i32
        %shift_right_arithmetic3A_198 = vector.broadcast %shift_right_arithmetic3A_197 : i32 to vector<16xi32>
        %shift_right_arithmetic3A_199 = arith.shrsi %gather3A_192, %shift_right_arithmetic3A_198 : vector<16xi32>
        %and3A_200 = arith.constant 127 : i32
        %and3A_201 = vector.broadcast %and3A_200 : i32 to vector<16xi32>
        %and3A_202 = arith.andi %shift_right_arithmetic3A_199, %and3A_201 : vector<16xi32>
        %and3A_203 = arith.constant 127 : i32
        %and3A_204 = vector.broadcast %and3A_203 : i32 to vector<16xi32>
        %and3A_205 = arith.andi %gather3A_192, %and3A_204 : vector<16xi32>
        %ge3A_206 = arith.constant 0 : i32
        %ge3A_207 = vector.broadcast %ge3A_206 : i32 to vector<16xi32>
        %ge3A_208 = arith.cmpi sge, %sub3A_196, %ge3A_207 : vector<16xi32>
        %lt3A_209 = arith.constant 3 : i32
        %lt3A_210 = vector.broadcast %lt3A_209 : i32 to vector<16xi32>
        %lt3A_211 = arith.cmpi slt, %sub3A_196, %lt3A_210 : vector<16xi32>
        %and3A_212 = arith.andi %ge3A_208, %lt3A_211 : vector<16xi1>
        %mul3A_213 = arith.constant 16 : i32
        %mul3A_214 = vector.broadcast %mul3A_213 : i32 to vector<16xi32>
        %mul3A_215 = arith.muli %gather3A_187, %mul3A_214 : vector<16xi32>
        %add3A_216 = arith.addi %mul3A_215, %iota3A : vector<16xi32>
        %gather3A_217 = tpu.vector_load_idx %arg6[%add3A_216] : memref<2048xf32, #tpu.memory_space<vmem>>[vector<16xi32>], vector<16xf32>,
        tpu.vector_store_idx %arg12[%sub3A_196, %and3A_202, %and3A_205], %gather3A_217 masked %and3A_212 {add = true} : memref<3x128x128xf32, #tpu.memory_space<vmem>>[vector<16xi32>, vector<16xi32>, vector<16xi32>], vector<16xf32>, vector<16xi1>
      }
      %while3A_163 = arith.constant 1 : i32
      scf.for %while3A_181 = %while3A_161 to %while3A_157 step %while3A_163  : i32 {
        %mul3A_182 = arith.constant 128 : i32
        %mul3A_183 = vector.broadcast %mul3A_182 : i32 to vector<16xi32>
        %mul3A_184 = arith.muli %broadcast_in_dim3A_142, %mul3A_183 : vector<16xi32>
        %add3A_185 = vector.broadcast %while3A_181 : i32 to vector<16xi32>
        %add3A_186 = arith.addi %mul3A_184, %add3A_185 : vector<16xi32>
        %gather3A_187 = tpu.vector_load_idx %arg9[%add3A_186] : memref<3584xi32, #tpu.memory_space<vmem>>[vector<16xi32>], vector<16xi32>,
        %mul3A_188 = arith.constant 16 : i32
        %mul3A_189 = vector.broadcast %mul3A_188 : i32 to vector<16xi32>
        %mul3A_190 = arith.muli %gather3A_187, %mul3A_189 : vector<16xi32>
        %add3A_191 = arith.addi %mul3A_190, %iota3A : vector<16xi32>
        %gather3A_192 = tpu.vector_load_idx %arg5[%add3A_191] : memref<2048xi32, #tpu.memory_space<vmem>>[vector<16xi32>], vector<16xi32>,
        %shift_right_arithmetic3A = arith.constant 14 : i32
        %shift_right_arithmetic3A_193 = vector.broadcast %shift_right_arithmetic3A : i32 to vector<16xi32>
        %shift_right_arithmetic3A_194 = arith.shrsi %gather3A_192, %shift_right_arithmetic3A_193 : vector<16xi32>
        %sub3A_195 = vector.broadcast %mul3A_153 : i32 to vector<16xi32>
        %sub3A_196 = arith.subi %shift_right_arithmetic3A_194, %sub3A_195 : vector<16xi32>
        %shift_right_arithmetic3A_197 = arith.constant 7 : i32
        %shift_right_arithmetic3A_198 = vector.broadcast %shift_right_arithmetic3A_197 : i32 to vector<16xi32>
        %shift_right_arithmetic3A_199 = arith.shrsi %gather3A_192, %shift_right_arithmetic3A_198 : vector<16xi32>
        %and3A_200 = arith.constant 127 : i32
        %and3A_201 = vector.broadcast %and3A_200 : i32 to vector<16xi32>
        %and3A_202 = arith.andi %shift_right_arithmetic3A_199, %and3A_201 : vector<16xi32>
        %and3A_203 = arith.constant 127 : i32
        %and3A_204 = vector.broadcast %and3A_203 : i32 to vector<16xi32>
        %and3A_205 = arith.andi %gather3A_192, %and3A_204 : vector<16xi32>
        %ge3A_206 = arith.constant 0 : i32
        %ge3A_207 = vector.broadcast %ge3A_206 : i32 to vector<16xi32>
        %ge3A_208 = arith.cmpi sge, %sub3A_196, %ge3A_207 : vector<16xi32>
        %lt3A_209 = arith.constant 3 : i32
        %lt3A_210 = vector.broadcast %lt3A_209 : i32 to vector<16xi32>
        %lt3A_211 = arith.cmpi slt, %sub3A_196, %lt3A_210 : vector<16xi32>
        %and3A_212 = arith.andi %ge3A_208, %lt3A_211 : vector<16xi1>
        %mul3A_213 = arith.constant 16 : i32
        %mul3A_214 = vector.broadcast %mul3A_213 : i32 to vector<16xi32>
        %mul3A_215 = arith.muli %gather3A_187, %mul3A_214 : vector<16xi32>
        %add3A_216 = arith.addi %mul3A_215, %iota3A : vector<16xi32>
        %gather3A_217 = tpu.vector_load_idx %arg6[%add3A_216] : memref<2048xf32, #tpu.memory_space<vmem>>[vector<16xi32>], vector<16xf32>,
        tpu.vector_store_idx %arg12[%sub3A_196, %and3A_202, %and3A_205], %gather3A_217 masked %and3A_212 {add = true} : memref<3x128x128xf32, #tpu.memory_space<vmem>>[vector<16xi32>, vector<16xi32>, vector<16xi32>], vector<16xf32>, vector<16xi1>
      }
      %eq3A_164 = arith.constant 26 : i32
      %eq3A_165 = arith.cmpi eq, %mul3A_98, %eq3A_164 : i32
      %convert_element_type3A_166 = arith.extui %eq3A_165 : i1 to i32
      %cond3A_167 = arith.constant 0 : i32
      %cond3A_168 = arith.cmpi ne, %convert_element_type3A_166, %cond3A_167 : i32
      scf.if %cond3A_168 {
        %scan3A_181 = arith.constant 0 : i32
        %scan3A_182 = arith.constant 0 : i32
        %scan3A_183 = arith.constant 32 : i32
        %scan3A_184 = arith.addi %scan3A_182, %scan3A_183 : i32
        %scan3A_185 = arith.constant 1 : i32
        scf.for %scan3A_187 = %scan3A_182 to %scan3A_184 step %scan3A_185  : i32 {
          %mul3A_188 = arith.constant 4 : i32
          %mul3A_189 = arith.muli %scan3A_187, %mul3A_188 : i32
          %add3A_190 = arith.constant 0 : i32
          %add3A_191 = arith.addi %mul3A_189, %add3A_190 : i32
          %mul3A_192 = arith.constant 16 : i32
          %mul3A_193 = arith.muli %add3A_191, %mul3A_192 : i32
          %get3A = arith.index_cast %mul3A_193 : i32 to index
          %get3A_194 = tpu.vector_load %arg7[%get3A] {strides = array<i32>} : memref<2048xi32, #tpu.memory_space<vmem>>, vector<16xi32>,
          %shift_right_arithmetic3A = arith.constant 14 : i32
          %shift_right_arithmetic3A_195 = vector.broadcast %shift_right_arithmetic3A : i32 to vector<16xi32>
          %shift_right_arithmetic3A_196 = arith.shrsi %get3A_194, %shift_right_arithmetic3A_195 : vector<16xi32>
          %sub3A_197 = arith.constant 81 : i32
          %sub3A_198 = vector.broadcast %sub3A_197 : i32 to vector<16xi32>
          %sub3A_199 = arith.subi %shift_right_arithmetic3A_196, %sub3A_198 : vector<16xi32>
          %shift_right_arithmetic3A_200 = arith.constant 7 : i32
          %shift_right_arithmetic3A_201 = vector.broadcast %shift_right_arithmetic3A_200 : i32 to vector<16xi32>
          %shift_right_arithmetic3A_202 = arith.shrsi %get3A_194, %shift_right_arithmetic3A_201 : vector<16xi32>
          %and3A_203 = arith.constant 127 : i32
          %and3A_204 = vector.broadcast %and3A_203 : i32 to vector<16xi32>
          %and3A_205 = arith.andi %shift_right_arithmetic3A_202, %and3A_204 : vector<16xi32>
          %and3A_206 = arith.constant 127 : i32
          %and3A_207 = vector.broadcast %and3A_206 : i32 to vector<16xi32>
          %and3A_208 = arith.andi %get3A_194, %and3A_207 : vector<16xi32>
          %ge3A_209 = arith.constant 0 : i32
          %ge3A_210 = vector.broadcast %ge3A_209 : i32 to vector<16xi32>
          %ge3A_211 = arith.cmpi sge, %sub3A_199, %ge3A_210 : vector<16xi32>
          %lt3A_212 = arith.constant 3 : i32
          %lt3A_213 = vector.broadcast %lt3A_212 : i32 to vector<16xi32>
          %lt3A_214 = arith.cmpi slt, %sub3A_199, %lt3A_213 : vector<16xi32>
          %and3A_215 = arith.andi %ge3A_211, %lt3A_214 : vector<16xi1>
          %get3A_216 = arith.index_cast %mul3A_193 : i32 to index
          %get3A_217 = tpu.vector_load %arg8[%get3A_216] {strides = array<i32>} : memref<2048xf32, #tpu.memory_space<vmem>>, vector<16xf32>,
          tpu.vector_store_idx %arg12[%sub3A_199, %and3A_205, %and3A_208], %get3A_217 masked %and3A_215 {add = true} : memref<3x128x128xf32, #tpu.memory_space<vmem>>[vector<16xi32>, vector<16xi32>, vector<16xi32>], vector<16xf32>, vector<16xi1>
          %mul3A_218 = arith.constant 4 : i32
          %mul3A_219 = arith.muli %scan3A_187, %mul3A_218 : i32
          %add3A_220 = arith.constant 1 : i32
          %add3A_221 = arith.addi %mul3A_219, %add3A_220 : i32
          %mul3A_222 = arith.constant 16 : i32
          %mul3A_223 = arith.muli %add3A_221, %mul3A_222 : i32
          %get3A_224 = arith.index_cast %mul3A_223 : i32 to index
          %get3A_225 = tpu.vector_load %arg7[%get3A_224] {strides = array<i32>} : memref<2048xi32, #tpu.memory_space<vmem>>, vector<16xi32>,
          %shift_right_arithmetic3A_226 = arith.constant 14 : i32
          %shift_right_arithmetic3A_227 = vector.broadcast %shift_right_arithmetic3A_226 : i32 to vector<16xi32>
          %shift_right_arithmetic3A_228 = arith.shrsi %get3A_225, %shift_right_arithmetic3A_227 : vector<16xi32>
          %sub3A_229 = arith.constant 81 : i32
          %sub3A_230 = vector.broadcast %sub3A_229 : i32 to vector<16xi32>
          %sub3A_231 = arith.subi %shift_right_arithmetic3A_228, %sub3A_230 : vector<16xi32>
          %shift_right_arithmetic3A_232 = arith.constant 7 : i32
          %shift_right_arithmetic3A_233 = vector.broadcast %shift_right_arithmetic3A_232 : i32 to vector<16xi32>
          %shift_right_arithmetic3A_234 = arith.shrsi %get3A_225, %shift_right_arithmetic3A_233 : vector<16xi32>
          %and3A_235 = arith.constant 127 : i32
          %and3A_236 = vector.broadcast %and3A_235 : i32 to vector<16xi32>
          %and3A_237 = arith.andi %shift_right_arithmetic3A_234, %and3A_236 : vector<16xi32>
          %and3A_238 = arith.constant 127 : i32
          %and3A_239 = vector.broadcast %and3A_238 : i32 to vector<16xi32>
          %and3A_240 = arith.andi %get3A_225, %and3A_239 : vector<16xi32>
          %ge3A_241 = arith.constant 0 : i32
          %ge3A_242 = vector.broadcast %ge3A_241 : i32 to vector<16xi32>
          %ge3A_243 = arith.cmpi sge, %sub3A_231, %ge3A_242 : vector<16xi32>
          %lt3A_244 = arith.constant 3 : i32
          %lt3A_245 = vector.broadcast %lt3A_244 : i32 to vector<16xi32>
          %lt3A_246 = arith.cmpi slt, %sub3A_231, %lt3A_245 : vector<16xi32>
          %and3A_247 = arith.andi %ge3A_243, %lt3A_246 : vector<16xi1>
          %get3A_248 = arith.index_cast %mul3A_223 : i32 to index
          %get3A_249 = tpu.vector_load %arg8[%get3A_248] {strides = array<i32>} : memref<2048xf32, #tpu.memory_space<vmem>>, vector<16xf32>,
          tpu.vector_store_idx %arg12[%sub3A_231, %and3A_237, %and3A_240], %get3A_249 masked %and3A_247 {add = true} : memref<3x128x128xf32, #tpu.memory_space<vmem>>[vector<16xi32>, vector<16xi32>, vector<16xi32>], vector<16xf32>, vector<16xi1>
          %mul3A_250 = arith.constant 4 : i32
          %mul3A_251 = arith.muli %scan3A_187, %mul3A_250 : i32
          %add3A_252 = arith.constant 2 : i32
          %add3A_253 = arith.addi %mul3A_251, %add3A_252 : i32
          %mul3A_254 = arith.constant 16 : i32
          %mul3A_255 = arith.muli %add3A_253, %mul3A_254 : i32
          %get3A_256 = arith.index_cast %mul3A_255 : i32 to index
          %get3A_257 = tpu.vector_load %arg7[%get3A_256] {strides = array<i32>} : memref<2048xi32, #tpu.memory_space<vmem>>, vector<16xi32>,
          %shift_right_arithmetic3A_258 = arith.constant 14 : i32
          %shift_right_arithmetic3A_259 = vector.broadcast %shift_right_arithmetic3A_258 : i32 to vector<16xi32>
          %shift_right_arithmetic3A_260 = arith.shrsi %get3A_257, %shift_right_arithmetic3A_259 : vector<16xi32>
          %sub3A_261 = arith.constant 81 : i32
          %sub3A_262 = vector.broadcast %sub3A_261 : i32 to vector<16xi32>
          %sub3A_263 = arith.subi %shift_right_arithmetic3A_260, %sub3A_262 : vector<16xi32>
          %shift_right_arithmetic3A_264 = arith.constant 7 : i32
          %shift_right_arithmetic3A_265 = vector.broadcast %shift_right_arithmetic3A_264 : i32 to vector<16xi32>
          %shift_right_arithmetic3A_266 = arith.shrsi %get3A_257, %shift_right_arithmetic3A_265 : vector<16xi32>
          %and3A_267 = arith.constant 127 : i32
          %and3A_268 = vector.broadcast %and3A_267 : i32 to vector<16xi32>
          %and3A_269 = arith.andi %shift_right_arithmetic3A_266, %and3A_268 : vector<16xi32>
          %and3A_270 = arith.constant 127 : i32
          %and3A_271 = vector.broadcast %and3A_270 : i32 to vector<16xi32>
          %and3A_272 = arith.andi %get3A_257, %and3A_271 : vector<16xi32>
          %ge3A_273 = arith.constant 0 : i32
          %ge3A_274 = vector.broadcast %ge3A_273 : i32 to vector<16xi32>
          %ge3A_275 = arith.cmpi sge, %sub3A_263, %ge3A_274 : vector<16xi32>
          %lt3A_276 = arith.constant 3 : i32
          %lt3A_277 = vector.broadcast %lt3A_276 : i32 to vector<16xi32>
          %lt3A_278 = arith.cmpi slt, %sub3A_263, %lt3A_277 : vector<16xi32>
          %and3A_279 = arith.andi %ge3A_275, %lt3A_278 : vector<16xi1>
          %get3A_280 = arith.index_cast %mul3A_255 : i32 to index
          %get3A_281 = tpu.vector_load %arg8[%get3A_280] {strides = array<i32>} : memref<2048xf32, #tpu.memory_space<vmem>>, vector<16xf32>,
          tpu.vector_store_idx %arg12[%sub3A_263, %and3A_269, %and3A_272], %get3A_281 masked %and3A_279 {add = true} : memref<3x128x128xf32, #tpu.memory_space<vmem>>[vector<16xi32>, vector<16xi32>, vector<16xi32>], vector<16xf32>, vector<16xi1>
          %mul3A_282 = arith.constant 4 : i32
          %mul3A_283 = arith.muli %scan3A_187, %mul3A_282 : i32
          %add3A_284 = arith.constant 3 : i32
          %add3A_285 = arith.addi %mul3A_283, %add3A_284 : i32
          %mul3A_286 = arith.constant 16 : i32
          %mul3A_287 = arith.muli %add3A_285, %mul3A_286 : i32
          %get3A_288 = arith.index_cast %mul3A_287 : i32 to index
          %get3A_289 = tpu.vector_load %arg7[%get3A_288] {strides = array<i32>} : memref<2048xi32, #tpu.memory_space<vmem>>, vector<16xi32>,
          %shift_right_arithmetic3A_290 = arith.constant 14 : i32
          %shift_right_arithmetic3A_291 = vector.broadcast %shift_right_arithmetic3A_290 : i32 to vector<16xi32>
          %shift_right_arithmetic3A_292 = arith.shrsi %get3A_289, %shift_right_arithmetic3A_291 : vector<16xi32>
          %sub3A_293 = arith.constant 81 : i32
          %sub3A_294 = vector.broadcast %sub3A_293 : i32 to vector<16xi32>
          %sub3A_295 = arith.subi %shift_right_arithmetic3A_292, %sub3A_294 : vector<16xi32>
          %shift_right_arithmetic3A_296 = arith.constant 7 : i32
          %shift_right_arithmetic3A_297 = vector.broadcast %shift_right_arithmetic3A_296 : i32 to vector<16xi32>
          %shift_right_arithmetic3A_298 = arith.shrsi %get3A_289, %shift_right_arithmetic3A_297 : vector<16xi32>
          %and3A_299 = arith.constant 127 : i32
          %and3A_300 = vector.broadcast %and3A_299 : i32 to vector<16xi32>
          %and3A_301 = arith.andi %shift_right_arithmetic3A_298, %and3A_300 : vector<16xi32>
          %and3A_302 = arith.constant 127 : i32
          %and3A_303 = vector.broadcast %and3A_302 : i32 to vector<16xi32>
          %and3A_304 = arith.andi %get3A_289, %and3A_303 : vector<16xi32>
          %ge3A_305 = arith.constant 0 : i32
          %ge3A_306 = vector.broadcast %ge3A_305 : i32 to vector<16xi32>
          %ge3A_307 = arith.cmpi sge, %sub3A_295, %ge3A_306 : vector<16xi32>
          %lt3A_308 = arith.constant 3 : i32
          %lt3A_309 = vector.broadcast %lt3A_308 : i32 to vector<16xi32>
          %lt3A_310 = arith.cmpi slt, %sub3A_295, %lt3A_309 : vector<16xi32>
          %and3A_311 = arith.andi %ge3A_307, %lt3A_310 : vector<16xi1>
          %get3A_312 = arith.index_cast %mul3A_287 : i32 to index
          %get3A_313 = tpu.vector_load %arg8[%get3A_312] {strides = array<i32>} : memref<2048xf32, #tpu.memory_space<vmem>>, vector<16xf32>,
          tpu.vector_store_idx %arg12[%sub3A_295, %and3A_301, %and3A_304], %get3A_313 masked %and3A_311 {add = true} : memref<3x128x128xf32, #tpu.memory_space<vmem>>[vector<16xi32>, vector<16xi32>, vector<16xi32>], vector<16xf32>, vector<16xi1>
        }
        %scan3A_186 = arith.constant 32 : i32
      } else {
      }
      %add3A_169 = arith.constant 1 : i32
      %add3A_170 = arith.addi %mul3A_98, %add3A_169 : i32
      %mul3A_171 = arith.constant 3 : i32
      %mul3A_172 = arith.muli %add3A_170, %mul3A_171 : i32
      %dma_start3A_173 = arith.constant 0 : i32
      %dma_start3A_174 = arith.constant 0 : i32
      %dma_start3A_175 = tpu.memref_slice %arg3[%add3A, %mul3A_172, %dma_start3A_173, %dma_start3A_174] : memref<32x84x128x128xf32, #tpu.memory_space<hbm>> -> memref<1x3x128x128xf32, #tpu.memory_space<hbm>>
      %dma_start3A_176 = tpu.memref_squeeze %dma_start3A_175 : memref<1x3x128x128xf32, #tpu.memory_space<hbm>> -> memref<3x128x128xf32, #tpu.memory_space<hbm>>
      %dma_start3A_177 = arith.constant 0 : i32
      %dma_start3A_178 = arith.constant 0 : i32
      %dma_start3A_179 = tpu.memref_slice %arg3[%add3A, %mul3A_172, %dma_start3A_177, %dma_start3A_178] : memref<32x84x128x128xf32, #tpu.memory_space<hbm>> -> memref<1x3x128x128xf32, #tpu.memory_space<hbm>>
      %dma_start3A_180 = tpu.memref_squeeze %dma_start3A_179 : memref<1x3x128x128xf32, #tpu.memory_space<hbm>> -> memref<3x128x128xf32, #tpu.memory_space<hbm>>
      tpu.enqueue_dma source(%arg12 : memref<3x128x128xf32, #tpu.memory_space<vmem>>) target(%dma_start3A_180 : memref<3x128x128xf32, #tpu.memory_space<hbm>>) target_semaphore(%arg14 : memref<!tpu.dma_semaphore, #tpu.memory_space<semaphore_mem>>)
    }
    %scan3A_76 = arith.constant 14 : i32
    %dma_wait3A = arith.constant 78 : i32
    %dma_wait3A_77 = arith.constant 0 : i32
    %dma_wait3A_78 = arith.constant 0 : i32
    %dma_wait3A_79 = tpu.memref_slice %arg3[%add3A, %dma_wait3A, %dma_wait3A_77, %dma_wait3A_78] : memref<32x84x128x128xf32, #tpu.memory_space<hbm>> -> memref<1x3x128x128xf32, #tpu.memory_space<hbm>>
    %dma_wait3A_80 = tpu.memref_squeeze %dma_wait3A_79 : memref<1x3x128x128xf32, #tpu.memory_space<hbm>> -> memref<3x128x128xf32, #tpu.memory_space<hbm>>
    %dma_wait3A_81 = arith.constant 78 : i32
    %dma_wait3A_82 = arith.constant 0 : i32
    %dma_wait3A_83 = arith.constant 0 : i32
    %dma_wait3A_84 = tpu.memref_slice %arg3[%add3A, %dma_wait3A_81, %dma_wait3A_82, %dma_wait3A_83] : memref<32x84x128x128xf32, #tpu.memory_space<hbm>> -> memref<1x3x128x128xf32, #tpu.memory_space<hbm>>
    %dma_wait3A_85 = tpu.memref_squeeze %dma_wait3A_84 : memref<1x3x128x128xf32, #tpu.memory_space<hbm>> -> memref<3x128x128xf32, #tpu.memory_space<hbm>>
    tpu.wait_dma2 semaphore(%arg13 : memref<!tpu.dma_semaphore, #tpu.memory_space<semaphore_mem>>) src(%arg11 : memref<3x128x128xf32, #tpu.memory_space<vmem>>) dst(%dma_wait3A_85 : memref<3x128x128xf32, #tpu.memory_space<hbm>>)
    %dma_wait3A_86 = arith.constant 81 : i32
    %dma_wait3A_87 = arith.constant 0 : i32
    %dma_wait3A_88 = arith.constant 0 : i32
    %dma_wait3A_89 = tpu.memref_slice %arg3[%add3A, %dma_wait3A_86, %dma_wait3A_87, %dma_wait3A_88] : memref<32x84x128x128xf32, #tpu.memory_space<hbm>> -> memref<1x3x128x128xf32, #tpu.memory_space<hbm>>
    %dma_wait3A_90 = tpu.memref_squeeze %dma_wait3A_89 : memref<1x3x128x128xf32, #tpu.memory_space<hbm>> -> memref<3x128x128xf32, #tpu.memory_space<hbm>>
    %dma_wait3A_91 = arith.constant 81 : i32
    %dma_wait3A_92 = arith.constant 0 : i32
    %dma_wait3A_93 = arith.constant 0 : i32
    %dma_wait3A_94 = tpu.memref_slice %arg3[%add3A, %dma_wait3A_91, %dma_wait3A_92, %dma_wait3A_93] : memref<32x84x128x128xf32, #tpu.memory_space<hbm>> -> memref<1x3x128x128xf32, #tpu.memory_space<hbm>>
    %dma_wait3A_95 = tpu.memref_squeeze %dma_wait3A_94 : memref<1x3x128x128xf32, #tpu.memory_space<hbm>> -> memref<3x128x128xf32, #tpu.memory_space<hbm>>
    tpu.wait_dma2 semaphore(%arg14 : memref<!tpu.dma_semaphore, #tpu.memory_space<semaphore_mem>>) src(%arg12 : memref<3x128x128xf32, #tpu.memory_space<vmem>>) dst(%dma_wait3A_95 : memref<3x128x128xf32, #tpu.memory_space<hbm>>)
    return
  }
}

</mosaic_0001>

<sc_bundles>
// kernel: kernel.3.cloned.1.call-start
scs
__scs_entry_jumppad:
0x0: {  	(pc) =	sbr.rel $0x88, $3  }
0x1: {  	(tag) =	ssettag $0x0;
	lr =	simm.s32 $0x1  }
0x2: {  	[smem:$0x3FA0] =	sst lr;
	_ =	strace $0xD0000000  }
0x3: {  	_ = 	snop  }
0x4: {  	_ = 	snop  }
0x5: {  	_ = 	snop  }
0x6: {  	_ = 	snop  }
0x7: {  	_ = 	snop  }
__scs_overlays_trampoline_lowered:
0x8: {  	[smem:$0x3FAF] =	sst s0  }
0x9: {  	[smem:$0x3FB0] =	sst s1  }
0xa: {  	[smem:$0x3FB1] =	sst s2  }
0xb: {  	[smem:$0x3FB2] =	sst s3  }
0xc: {  	[smem:$0x3FB3] =	sst s4  }
0xd: {  	[smem:$0x3FB4] =	sst s5  }
0xe: {  	[smem:$0x3FB5] =	sst s6  }
0xf: {  	[smem:$0x3FB6] =	sst s7  }
0x10: {  	[smem:$0x3FB7] =	sst s8  }
0x11: {  	[smem:$0x3FB8] =	sst s9;
	s0 =	simm.s32 @!p0 $0x0  }
0x12: {  	s1 =	sld [smem:$0x3F9E];
	s0 =	simm.s32 @p0 $0x1  }
0x13: {  	[smem:$0x3FB9] =	sst s0;
	s0 =	simm.s32 @!p1 $0x0  }
0x14: {  	s2 =	sld [smem:$0x3F9D];
	s0 =	simm.s32 @p1 $0x1  }
0x15: {  	[smem:$0x3FBA] =	sst s0;
	s0 =	simm.s32 @!p2 $0x0  }
0x16: {  	s3 =	sld [smem:$0x3FDB];
	s0 =	simm.s32 @p2 $0x1  }
0x17: {  	s4 =	simm.s32 $0x1BF5;
	[smem:$0x3FBC] =	sst s0  }
0x18: {  	s0 =	sld [smem:$0x3F9F];
	_ =	swait.ge [sflag:s4], $0x0  }
0x19: {  	s7 =	sld [smem:$0x3FA0]  }
0x1a: {  	s8 =	sadd.s32 $0xFFFFE003, lr  }
0x1b: {  	s9 =	sadd.s32 $0xFFFFFEF7, lr;
	s5 =	simm.s32 $0xFFFFFFFF;
	p2 =	slt.u32 s8, $0xFFFFF086  }
0x1c: {  	p1 =	slt.u32 s9, $0xF7A;
	s5 =	simm.s32 @!p2 $0x0  }
0x1d: {  	s5 =	simm.s32 @p1 $0x1;
	p0 =	seq.s32 s7, s2  }
0x1e: {  	s7 =	smul.u32 @!p0 $0xF7A, s2;
	p2 =	seq.s32 @!p0 s5, $0x0  }
0x1f: {  	s9 =	smul.u32 $0xF7A, s1;
	s8 =	simm.s32 @!p0 $0x1BF5;
	p2 =	por !p2, p0  }
0x20: {  	[sflag:s8] =	ssyncset.s32 @!p0 $0xFFFFF086;
	s6 =	sadd.s32 @!p0 s3, s7;
	s7 =	simm.s32 @!p0 $0x108  }
0x21: {  	s3 =	sadd.s32 s3, s9;
	s6 =	sadd.s32 @!p0 $0x88, s6;
	s7 =	simm.s32 @p2 $0x1082  }
0x22: {  	[simem:s7], [sflag:s8] =	dma.local @!p0 [hbm:s6], $0xF7A  }
0x23: {  	s9 =	sor.u32 $0xD0000000, s2;
	s6 =	simm.s32 $0x108;
	_ =	swait.ge @!p0 [sflag:s8], $0x0  }
0x24: {  	s3 =	sadd.s32 $0x88, s3;
	s6 =	simm.s32 @!p1 $0x1082;
	[sflag:s4] =	ssyncset.s32 $0xFFFFF086  }
0x25: {  	[simem:s6], [sflag:s4] =	dma.local [hbm:s3], $0xF7A  }
0x26: {  	[smem:$0x3FA0] =	sst s1;
	(tag) =	ssettag s2;
	_ =	strace s9  }
0x27: {  	s1 =	sld [smem:$0x3FB0]  }
0x28: {  	s2 =	sld [smem:$0x3FB1]  }
0x29: {  	s4 =	sld [smem:$0x3FB3]  }
0x2a: {  	p0 =	seq.s32 s5, $0x0;
	s5 =	sld [smem:$0x3FB4]  }
0x2b: {  	s6 =	sld [smem:$0x3FB5]  }
0x2c: {  	s7 =	sld [smem:$0x3FB6]  }
0x2d: {  	s3 =	simm.s32 $0x108;
	s8 =	sld [smem:$0x3FB7]  }
0x2e: {  	s3 =	simm.s32 @!p0 $0x1082;
	s9 =	sld [smem:$0x3FB8]  }
0x2f: {  	lr =	sadd.s32 s0, s3;
	s0 =	sld [smem:$0x3FAF]  }
0x30: {  	s3 =	sld [smem:$0x3FB2]  }
0x31: {  	[smem:$0x3FBB] =	sst s10  }
0x32: {  	s10 =	sld [smem:$0x3FB9];
	_ =	sdelay $0x3  }
0x33: {  	p0 =	seq.s32 s10, $0x1;
	s10 =	sld [smem:$0x3FBB];
	_ =	sdelay $0x3  }
0x34: {  	[smem:$0x3FBB] =	sst s10  }
0x35: {  	s10 =	sld [smem:$0x3FBA];
	_ =	sdelay $0x3  }
0x36: {  	p1 =	seq.s32 s10, $0x1;
	s10 =	sld [smem:$0x3FBB];
	_ =	sdelay $0x3  }
0x37: {  	[smem:$0x3FBB] =	sst s10  }
0x38: {  	s10 =	sld [smem:$0x3FBC]  }
0x39: {  	_ = 	snop;
	(pc) =	sbr.ind lr, $3  }
0x3a: {  	_ = 	snop  }
0x3b: {  	_ = 	snop  }
0x3c: {  	p2 =	seq.s32 s10, $0x1;
	s10 =	sld [smem:$0x3FBB]  }
0x3d: {  	_ =	shalt  }
0x3e: {  	_ =	shalt  }
0x3f: {  	_ =	shalt  }
0x40: {  	_ =	shalt  }
0x41: {  	_ =	shalt  }
0x42: {  	_ =	shalt  }
0x43: {  	_ =	shalt  }
0x44: {  	_ =	shalt  }
0x45: {  	_ =	shalt  }
0x46: {  	_ =	shalt  }
0x47: {  	_ =	shalt  }
0x48: {  	_ =	shalt  }
0x49: {  	_ =	shalt  }
0x4a: {  	_ =	shalt  }
0x4b: {  	_ =	shalt  }
0x4c: {  	_ =	shalt  }
0x4d: {  	_ =	shalt  }
0x4e: {  	_ =	shalt  }
0x4f: {  	_ =	shalt  }
0x50: {  	_ =	shalt  }
0x51: {  	_ =	shalt  }
0x52: {  	_ =	shalt  }
0x53: {  	_ =	shalt  }
0x54: {  	_ =	shalt  }
0x55: {  	_ =	shalt  }
0x56: {  	_ =	shalt  }
0x57: {  	_ =	shalt  }
0x58: {  	_ =	shalt  }
0x59: {  	_ =	shalt  }
0x5a: {  	_ =	shalt  }
0x5b: {  	_ =	shalt  }
0x5c: {  	_ =	shalt  }
0x5d: {  	_ =	shalt  }
0x5e: {  	_ =	shalt  }
0x5f: {  	_ =	shalt  }
0x60: {  	_ =	shalt  }
0x61: {  	_ =	shalt  }
0x62: {  	_ =	shalt  }
0x63: {  	_ =	shalt  }
0x64: {  	_ =	shalt  }
0x65: {  	_ =	shalt  }
0x66: {  	_ =	shalt  }
0x67: {  	_ =	shalt  }
0x68: {  	_ =	shalt  }
0x69: {  	_ =	shalt  }
0x6a: {  	_ =	shalt  }
0x6b: {  	_ =	shalt  }
0x6c: {  	_ =	shalt  }
0x6d: {  	_ =	shalt  }
0x6e: {  	_ =	shalt  }
0x6f: {  	_ =	shalt  }
0x70: {  	_ =	shalt  }
0x71: {  	_ =	shalt  }
0x72: {  	_ =	shalt  }
0x73: {  	_ =	shalt  }
0x74: {  	_ =	shalt  }
0x75: {  	_ =	shalt  }
0x76: {  	_ =	shalt  }
0x77: {  	_ =	shalt  }
0x78: {  	_ =	shalt  }
0x79: {  	_ =	shalt  }
0x7a: {  	_ =	shalt  }
0x7b: {  	_ =	shalt  }
0x7c: {  	_ =	shalt  }
0x7d: {  	_ =	shalt  }
0x7e: {  	_ =	shalt  }
0x7f: {  	_ =	shalt  }
0x80: {  	_ =	shalt  }
0x81: {  	_ =	shalt  }
0x82: {  	_ =	shalt  }
0x83: {  	_ =	shalt  }
0x84: {  	_ =	shalt  }
0x85: {  	_ =	shalt  }
0x86: {  	_ =	shalt  }
0x87: {  	_ =	shalt  }
.Lfunc_end0:
.L_simem_size_0:
called_computation_lowered:
.L_overlay_start_0:
0x88: {  	s2 =	sld [smem:$0x3FD9]  }
0x89: {  	s3 =	sld [smem:$0x3FFE];
	_ =	sdelay $0x1  }
0x8a: {  	s1 =	srdreg.scid  }
0x8b: {  	s0 =	sand.u32 $0x1, s1  }
0x8c: {  	s17 =	sshll.u32 s0, $0xA;
	s2 =	sadd.s32 s3, s2  }
0x8d: {  	s2 =	sadd.s32 s2, s17  }
0x8e: {  	[smem:$0x3FC7] =	sst s2  }
0x8f: {  	_ = 	snop  }
0x90: {  	s2 =	sld [smem:$0x3FD0];
	(tm) =	ssettm $0x1  }
0x91: {  	s18 =	sld [smem:$0x3FFB];
	_ =	sdelay $0x3  }
0x92: {  	_ =	strace s18  }
0x93: {  	s3 =	sld [smem:$0x3FFC];
	_ =	sdelay $0x3  }
0x94: {  	_ =	strace s3  }
0x95: {  	s3 =	sld [smem:$0x3FFD];
	_ =	sdelay $0x3  }
0x96: {  	_ =	strace s3  }
0x97: {  	_ =	strace $0x8FFFFFFF  }
0x98: {  	s19 =	sld [smem:$0x3FDB];
	_ =	sdelay $0x1  }
0x99: {  	s4 =	simm.s32 $_scs_section_size  }
0x9a: {  	s5 =	simm.s32 $_size__tile_overlayer_lowered;
	s6 =	simm.s32 $_tile_overlayer_lowered  }
0x9b: {  	s22 =	simm.s32 $0x1BFF;
	s21 =	sshll.u32 s6, $0x1;
	s3 =	sadd.s32 s4, s19  }
0x9c: {  	s7 =	simm.s32 $0x0;
	s20 =	sshll.u32 s5, $0x1;
	s5 =	sadd.s32 s21, s3  }
0x9d: {  	[timem:s7], [sflag:s22] =	dma.local [hbm:s5], s20  }
0x9e: {  	_ =	swait.ge [sflag:s22], s20  }
0x9f: {  	s4 =	ssub.s32 $0x0, s20;
	[sflag:s22] =	ssyncset.done $0x0  }
0xa0: {  	[sflag:s22] =	ssyncadd.s32 s4;
	_ =	sdelay $0x1  }
0xa1: {  	s23 =	simm.s32 $0x1B8B  }
0xa2: {  	_ =	swait.ge [sflag:s23], $0x1  }
0xa3: {  	[sflag:s23] =	ssyncset.done $0x0  }
0xa4: {  	s25 =	simm.s32 $0x1B8E;
	s24 =	sld [smem:$0x3FFE];
	[sflag:s23] =	ssyncadd.s32 $0xFFFFFFFF  }
0xa5: {  	s26 =	simm.s32 $execute0_lowered;
	[smem:$0x3FD2] =	sst s25  }
0xa6: {  	s5 =	sshll.u32 s26, $0x1;
	_ =	strace $0x80000046;
	[dreg:$0x1] =	wrdreg $0xFFFFFFFF  }
0xa7: {  	s28 =	simm.s32 $_size_execute0_lowered;
	s3 =	sadd.s32 s3, s5;
	[dreg:$0x0] =	wrdreg $0x0  }
0xa8: {  	s5 =	sshll.u32 s28, $0x1;
	[dreg:$0x2] =	wrdreg s3  }
0xa9: {  	[dreg:$0x3] =	wrdreg s5  }
0xaa: {  	[dreg:$0x4] =	wrdreg $0xC0  }
0xab: {  	_ =	task [dreg:s7], $0x5FFFF  }
0xac: {  	[dreg:$0x1] =	wrdreg $0xFFFFFFFF  }
0xad: {  	[dreg:$0x0] =	wrdreg $0x60  }
0xae: {  	[dreg:$0x2] =	wrdreg s24  }
0xaf: {  	[dreg:$0x3] =	wrdreg s2  }
0xb0: {  	[dreg:$0x4] =	wrdreg $0x9  }
0xb1: {  	_ =	task.clear_ibuf [dreg:s7], $0x5FFFF;
	_ =	strace $0x90000046  }
0xb2: {  	s29 =	simm.s32 $0x9;
	_ =	strace $0x80000048  }
0xb3: {  	_ =	swait.ge [sflag:s29], $0x1  }
0xb4: {  	[sflag:s29] =	ssyncadd.s32 $0xFFFFFFFF  }
0xb5: {  	_ =	strace $0x90000048  }
0xb6: {  	_ =	sfence  }
0xb7: {  	s30 =	sld [smem:$0x0];
	_ =	sdelay $0x2  }
0xb8: {  	s31 =	sshll.u32 s1, $0xD;
	s1 =	sshrl.u32 s1, $0x2  }
0xb9: {  	s3 =	sand.u32 $0x4000, s31;
	s1 =	sadd.s32 s1, s30  }
0xba: {  	s0 =	sor.u32 s3, s0;
	s1 =	sshll.u32 s1, $0x11  }
0xbb: {  	s0 =	sor.u32 s1, s0  }
0xbc: {  	s0 =	sadd.s32 $0x8F2B, s0  }
0xbd: {  	[sflag:s0] =	ssyncadd.remote.s32 $0x1  }
0xbe: {  	_ =	sfence.sel $0xFFFF  }
0xbf: {  	[dreg:$0x0] =	wrdreg $0xFFFFFFFF;
	(pc) =	sbr.abs _section_cstart, $3  }
0xc0: {  	[dreg:$0x1] =	wrdreg $0xFFFFFFFF  }
0xc1: {  	_ =	task.clear_ibuf [dreg:s7], $0x2FFFF;
	_ =	strace $0x9FFFFFFF  }
0xc2: {  	(tm) =	ssettm $0x7FFFFFFF  }
0xc3: {  	_ =	shalt  }
tec
execute0_lowered:
.L_overlay_start_1:
0x0: {  	(tag) =	ssettag $0x1  }
0x1: {  	v0 =	vimm.f32 $-0.0e+00;
	vm0 =	vcmask $0x300  }
0x2: {  	v0 =	vsel vm0, $0xC04FBF82, v0;
	vm0 =	vcmask $0x704  }
0x3: {  	v0 =	vsel vm0, $0xBFCFBF82, v0;
	vm0 =	vcmask $0xB08  }
0x4: {  	v0 =	vsel vm0, $0xC04FBF82, v0;
	vm0 =	vcmask $0xF0C  }
0x5: {  	v0 =	vsel vm0, $0xBFCFBF82, v0;
	vm0 =	vcmask $0x1714  }
0x6: {  	s4 =	rddreg [dreg:$0x0];
	v0 =	vsel vm0, $0xBFCFBF82, v0;
	vm0 =	vcmask $0x1B18  }
0x7: {  	s1 =	rddreg [dreg:$0x1];
	s3 =	simm.s32 $0x0;
	v0 =	vsel vm0, $0xC04FBF82, v0;
	vm0 =	vcmask $0x1F1C  }
0x8: {  	[smem:$0x7FF] =	sst s3;
	v0 =	vsel vm0, $0xBFCFBF82, v0;
	vm0 =	vcmask $0x2320  }
0x9: {  	s2 =	srdreg.scid;
	s0 =	rddreg [dreg:$0x2];
	_ =	strace $0x80000047;
	v0 =	vsel vm0, $0xC04FBF82, v0  }
0xa: {  	s9 =	simm.s32 $0x3;
	s10 =	simm.s32 $0x3100;
	s5 =	sand.u32 $0x1, s2;
	(erf) = vpow2.f32 v0  }
0xb: {  	s11 =	simm.s32 $0x2300;
	s2 =	stileid.u32;
	s6 =	sshll.u32 s5, $0x4  }
0xc: {  	v1 =	vimm.s32 $0x134D3;
	v2 =	vimm.s32 $0x52515053;
	s12 =	simm.s32 $0x300;
	s13 =	simm.s32 $0x3180;
	s6 =	sor.u32 s2, s6;
	v0 =	vimm.s32 $0x1503F  }
0xd: {  	v3 =	vimm.s32 $0x56555400;
	vm1 =	vcmask $0x3324;
	s14 =	simm.s32 $0xB00;
	s15 =	simm.s32 $0xF180;
	s7 =	sshrl.u32 s6, $0x3;
	v0 =	vunpack.c.l.s2.s4 v0  }
0xe: {  	vm2 =	vcmask $0x2334;
	vm3 =	vcmask $0x2734;
	s16 =	simm.s32 $0x1;
	v1 =	vunpack.c.l.s2.s4 v1;
	s8 =	sshll.u32 s2, $0x7;
	s7 =	smul.u32 $0x1800, s7  }
.Ltmp0:
0xf: {  	vm4 =	vcmask $0x2B34;
	vm5 =	vcmask $0x2F34;
	s5 =	ssub.s32 $0x2, s5;
	s8 =	sand.u32 $0x380, s8;
	v4 =	vunpack.c.l.s4.s8 v0;
	(pc) =	sbr.rel .LBB2_1-.Ltmp0, $4  }
0x10: {  	s17 =	simm.s32 $0x2;
	v2 =	vunpack.c.0.s8.s32 v2;
	v3 =	vunpack.c.0.s8.s32 v3;
	s30 =	sshrl.u32 s5, $0x1;
	v5 =	vunpack.c.l.s4.s8 v1;
	s7 =	sor.u32 s8, s7  }
0x11: {  	vm6 =	vmmov $0x1;
	v6 =	vlaneseq.u32;
	s18 =	simm.s32 $0x0;
	s31 =	ssub.s32 s5, s30;
	s7 =	sshrl.u32 s7, $0x3;
	vm0 =	vcmask $0x3F34  }
0x12: {  	s5 =	smul.u32 $0x150000, s6;
	s6 =	smax.u32 s31, $0x1;
	s4 =	sadd.s32 s7, s4;
	v1 =	vsel vm0, v3, v2;
	vm0 =	vmmov $0x1ff;
	v3 =	vunpack.c.0.s8.s32 v5  }
0x13: {  	s8 =	simm.s32 $0x400;
	s7 =	simm.s32 $0x80;
	v5 =	vimm.f32 $0.0e+00;
	s4 =	sadd.s32 $0x400, s4;
	v0 =	vimm.s32 $0x0;
	v2 =	vunpack.c.0.s8.s32 v4;
	v4 =	vpop (erf)  }
.LBB2_23:
0x14: {  	s18 =	sadd.s32 $0x1, s18  }
0x15: {  	_ =	swait.ge [sflag:s16], $0xC000;
	p0 =	sne.s32 s18, s6  }
.Ltmp1:
0x16: {  	[sflag:s16] =	ssyncset.done $0x0;
	(pc) =	sbr.rel @!p0 .LBB2_24-.Ltmp1, $4  }
0x17: {  	[sflag:s16] =	ssyncadd.s32 $0xFFFF4000  }
0x18: {  	_ =	swait.ge [sflag:s17], $0xC000  }
0x19: {  	[sflag:s17] =	ssyncset.done $0x0  }
0x1a: {  	[sflag:s17] =	ssyncadd.s32 $0xFFFF4000  }
.LBB2_1:
0x1b: {  	v7 =	vmov s3  }
0x1c: {  	[tilespmem:s3], [sflag:$0x3] =	stream.strided.gather [hbm4b:s4+s7], $0x300, s8, s7, $0x38;
	v8 =	vmul.u32 $0x6, v7;
	[tilespmem:$0x1B180] =	vst v63  }
0x1d: {  	_ =	swait.ge [sflag:s9], $0x300  }
0x1e: {  	[sflag:s9] =	ssyncset.done $0x0;
	v9 =	vor.u32 $0x1, v8  }
0x1f: {  	[sflag:s9] =	ssyncadd.s32 $0xFFFFFD00;
	v10 =	vadd.s32 $0x4, v8  }
0x20: {  	v11 =	vadd.s32 $0x5, v8;
	[tilespmem:$0x3100] =	vst v0  }
0x21: {  	[tilespmem:$0x3110] =	vst v0  }
0x22: {  	v12 =	vld.idx.msk [tilespmem:v8+s3+$0x0], $0xffff  }
0x23: {  	v9 =	vld.idx.msk [tilespmem:v9+s3+$0x0], $0xffff  }
0x24: {  	v10 =	vld.idx.msk [tilespmem:v10+s3+$0x0], $0xffff  }
0x25: {  	v11 =	vld.idx.msk [tilespmem:v11+s3+$0x0], $0xffff;
	_ =	sdelay $0x1  }
0x26: {  	v15 =	vadd.s32 $0x2, v8;
	v14 =	vtrunc.f32 v12  }
0x27: {  	v13 =	vtrunc.f32 v9;
	v14 =	vcvt.f32.s32 v14  }
0x28: {  	v8 =	vadd.s32 $0x3, v8;
	v10 =	vtrunc.f32 v10;
	v13 =	vcvt.f32.s32 v13  }
0x29: {  	vm7 =	veq.f32 v11, $1.000000000e+00;
	v10 =	vcvt.f32.s32 v10;
	v16 =	vcvt.s32.f32 v14  }
0x2a: {  	v14 =	vadd.s32 v2, v14;
	v17 =	vadd.s32 v3, v13;
	v13 =	vcvt.s32.f32 v13  }
0x2b: {  	v11 =	vshll.u32 v14, $0x7;
	v18 =	vor.u32 v14, v17;
	v14 =	vld.idx.msk [tilespmem:v15+s3+$0x0], $0xffff;
	v15 =	vsel vm0, v10, v1  }
0x2c: {  	v10 =	vmul.u32 $0x5556, v10;
	v12 =	vsub.f32 v12, v16;
	vm8 =	vlt.u32 v18, $0x80  }
0x2d: {  	v8 =	vld.idx.msk [tilespmem:v8+s3+$0x0], $0xffff;
	v11 =	vadd.s32 v11, v17;
	v15 =	vshll.u32 v15, $0xE;
	vm8 =	vmand vm8, vm7  }
0x2e: {  	v13 =	vsub.f32 v9, v13;
	v11 =	vadd.s32 v15, v11;
	vm9 =	vmand vm8, vm0  }
0x2f: {  	v12 =	vsel vm2, $0x0, v12;
	v9 =	vshra.s32 v10, $0x10;
	v15 =	vnsel vm9, $0x8000000, v11  }
0x30: {  	vm8 =	vmand vm8, vm1;
	v10 =	vsel vm3, v12, v13;
	[tilespmem:s12+$0x0] =	vst v15  }
0x31: {  	s19 =	simm.s32 $0x1300;
	v11 =	vnsel vm8, $0x8000000, v11;
	v10 =	vsel vm4, v10, v14;
	[tilespmem:s14+$0x0] =	vst v4  }
0x32: {  	s20 =	simm.s32 $0x1B00;
	v8 =	vsel vm5, v10, v8;
	[tilespmem:s19+$0x0] =	vst v11  }
0x33: {  	[tilespmem:s20+$0x0] =	vst v8  }
0x34: {  	v11 =	vld.idx.msk [tilespmem:v9+s10+$0x0], $0xffff;
	_ =	sdelay $0x1  }
0x35: {  	s31 =	simm.s32 $0x1  }
0x36: {  	v8 =	vmov s31  }
0x37: {  	vm7 =	vmand vm7, vm6;
	v12 =	vshll.u32 v9, $0x7;
	v10 =	vmul.u32 $0x6, v8  }
0x38: {  	s26 =	simm.s32 $0x2;
	s21 =	simm.s32 $0x1B10;
	v15 =	vadd.s32 v12, v11  }
0x39: {  	s23 =	simm.s32 $0x300;
	s22 =	simm.s32 $0xB00;
	s20 =	simm.s32 $0x1310;
	v14 =	vor.u32 $0x1, v10;
	v13 =	vadd.s32 $0x4, v10;
	v12 =	vadd.s32 $0x5, v10  }
.LBB2_2:
0x3a: {  	s23 =	sadd.s32 $0x10, s23  }
0x3b: {  	s22 =	sadd.s32 $0x10, s22;
	s25 =	smov.u32 s26;
	s24 =	sadd.s32 $0x1, s26  }
0x3c: {  	p0 =	sne.s32 s26, $0x7F  }
0x3d: {  	v11 =	vadd.s32 $0x1, v11;
	[tilespmem:v15+s11+$0x0] =	vst.idx.msk vm7, v7;
	v7 =	vmov v8  }
0x3e: {  	s19 =	simm.s32 $0x0;
	[tilespmem:v9+s10+$0x0] =	vst.idx.msk vm7, v11  }
0x3f: {  	v8 =	vld.idx.msk [tilespmem:v14+s19+$0x0], $0xffff  }
0x40: {  	v9 =	vld.idx.msk [tilespmem:v10+s19+$0x0], $0xffff;
	_ =	sdelay $0x1  }
0x41: {  	v11 =	vld.idx.msk [tilespmem:v13+s19+$0x0], $0xffff  }
0x42: {  	v12 =	vld.idx.msk [tilespmem:v12+s19+$0x0], $0xffff;
	_ =	sdelay $0x1  }
0x43: {  	v13 =	vtrunc.f32 v8  }
0x44: {  	v14 =	vadd.s32 $0x2, v10;
	v15 =	vtrunc.f32 v9  }
0x45: {  	v10 =	vadd.s32 $0x3, v10;
	v13 =	vcvt.f32.s32 v13;
	v15 =	vcvt.f32.s32 v15  }
0x46: {  	v11 =	vtrunc.f32 v11  }
0x47: {  	v17 =	vadd.s32 v3, v13;
	v16 =	vcvt.s32.f32 v15;
	v15 =	vadd.s32 v2, v15  }
0x48: {  	v13 =	vcvt.s32.f32 v13;
	v11 =	vcvt.f32.s32 v11;
	v18 =	vor.u32 v15, v17  }
0x49: {  	vm7 =	veq.f32 v12, $1.000000000e+00;
	v12 =	vshll.u32 v15, $0x7;
	vm8 =	vlt.u32 v18, $0x80;
	v14 =	vld.idx.msk [tilespmem:v14+s19+$0x0], $0xffff  }
0x4a: {  	v15 =	vsel vm0, v11, v1;
	v11 =	vmul.u32 $0x5556, v11;
	vm8 =	vmand vm8, vm7;
	v10 =	vld.idx.msk [tilespmem:v10+s19+$0x0], $0xffff  }
0x4b: {  	v9 =	vsub.f32 v9, v16;
	v12 =	vadd.s32 v12, v17;
	v15 =	vshll.u32 v15, $0xE  }
0x4c: {  	v8 =	vsub.f32 v8, v13;
	v12 =	vadd.s32 v15, v12;
	vm9 =	vmand vm8, vm0  }
0x4d: {  	v15 =	vsel vm2, $0x0, v9;
	v9 =	vshra.s32 v11, $0x10;
	v13 =	vnsel vm9, $0x8000000, v12  }
0x4e: {  	vm8 =	vmand vm8, vm1;
	v8 =	vsel vm3, v15, v8;
	[tilespmem:s23+$0x0] =	vst v13  }
0x4f: {  	v11 =	vnsel vm8, $0x8000000, v12;
	v8 =	vsel vm4, v8, v14;
	[tilespmem:s22+$0x0] =	vst v4  }
0x50: {  	v8 =	vsel vm5, v8, v10;
	[tilespmem:s20+$0x0] =	vst v11  }
0x51: {  	[tilespmem:s21+$0x0] =	vst v8  }
0x52: {  	v11 =	vld.idx.msk [tilespmem:v9+s10+$0x0], $0xffff;
	_ =	sdelay $0x3  }
.Ltmp2:
0x53: {  	v8 =	vmov s25;
	(pc) =	sbr.rel @p0 .LBB2_2-.Ltmp2, $4  }
0x54: {  	vm7 =	vmand vm7, vm6;
	v12 =	vshll.u32 v9, $0x7;
	v10 =	vmul.u32 $0x6, v8  }
0x55: {  	v15 =	vadd.s32 v12, v11  }
0x56: {  	v14 =	vor.u32 $0x1, v10;
	v13 =	vadd.s32 $0x4, v10;
	v12 =	vadd.s32 $0x5, v10  }
0x57: {  	s26 =	smov.u32 s24;
	s20 =	sadd.s32 $0x10, s20;
	s21 =	sadd.s32 $0x10, s21  }
0x58: {  	_ =	sdelay $0x4  }
0x59: {  	[tilespmem:v15+s11+$0x0] =	vst.idx.msk vm7, v7;
	v7 =	vadd.s32 $0x1, v11  }
0x5a: {  	[tilespmem:v9+s10+$0x0] =	vst.idx.msk vm7, v7  }
0x5b: {  	v9 =	vld.idx.msk [tilespmem:v10+s19+$0x0], $0xffff  }
0x5c: {  	v7 =	vld.idx.msk [tilespmem:v14+s19+$0x0], $0xffff  }
0x5d: {  	v53 =	vld.idx.msk [tilespmem:v13+s19+$0x0], $0xffff  }
0x5e: {  	v12 =	vld.idx.msk [tilespmem:v12+s19+$0x0], $0xffff;
	_ =	sdelay $0x1  }
0x5f: {  	v55 =	vtrunc.f32 v9  }
0x60: {  	v56 =	vadd.s32 $0x2, v10;
	v54 =	vtrunc.f32 v7;
	v14 =	vcvt.f32.s32 v55  }
0x61: {  	v57 =	vadd.s32 $0x3, v10;
	v11 =	vtrunc.f32 v53;
	v13 =	vcvt.f32.s32 v54  }
0x62: {  	vm7 =	veq.f32 v12, $1.000000000e+00;
	v11 =	vcvt.f32.s32 v11;
	v16 =	vcvt.s32.f32 v14  }
0x63: {  	v14 =	vadd.s32 v2, v14;
	v17 =	vadd.s32 v3, v13;
	v13 =	vcvt.s32.f32 v13  }
0x64: {  	v60 =	vsel vm0, v11, v1;
	v11 =	vmul.u32 $0x5556, v11;
	v18 =	vor.u32 v14, v17  }
0x65: {  	v59 =	vld.idx.msk [tilespmem:v56+s19+$0x0], $0xffff;
	v58 =	vshll.u32 v14, $0x7;
	v15 =	vshll.u32 v60, $0xE;
	vm8 =	vlt.u32 v18, $0x80  }
0x66: {  	v10 =	vld.idx.msk [tilespmem:v57+s19+$0x0], $0xffff;
	v9 =	vsub.f32 v9, v16;
	v12 =	vadd.s32 v58, v17;
	vm8 =	vmand vm8, vm7  }
0x67: {  	v7 =	vsub.f32 v7, v13;
	v12 =	vadd.s32 v15, v12;
	vm9 =	vmand vm8, vm0  }
0x68: {  	s23 =	sadd.s32 $0x10, s23;
	v11 =	vshra.s32 v11, $0x10;
	v9 =	vsel vm2, $0x0, v9;
	v61 =	vnsel vm9, $0x8000000, v12  }
0x69: {  	s22 =	sadd.s32 $0x10, s22;
	vm8 =	vmand vm8, vm1;
	v7 =	vsel vm3, v9, v7;
	[tilespmem:s23+$0x0] =	vst v61  }
0x6a: {  	v62 =	vnsel vm8, $0x8000000, v12;
	v7 =	vsel vm4, v7, v59;
	[tilespmem:s22+$0x0] =	vst v4  }
0x6b: {  	v7 =	vsel vm5, v7, v10;
	[tilespmem:s20+$0x0] =	vst v62  }
0x6c: {  	[tilespmem:s21+$0x0] =	vst v7  }
0x6d: {  	v7 =	vld.idx.msk [tilespmem:v11+s10+$0x0], $0xffff;
	_ =	sdelay $0x3  }
0x6e: {  	vm7 =	vmand vm7, vm6;
	v63 =	vshll.u32 v11, $0x7  }
0x6f: {  	v9 =	vadd.s32 v63, v7  }
0x70: {  	p0 =	por $0x1, $0x1  }
.Ltmp3:
0x71: {  	_ = 	snop;
	(pc) =	sbr.rel @!p0 .LBB2_5-.Ltmp3, $3  }
0x72: {  	_ =	sdelay $0x1  }
0x73: {  	v7 =	vadd.s32 $0x1, v7;
	[tilespmem:v9+s11+$0x0] =	vst.idx.msk vm7, v8  }
0x74: {  	s20 =	simm.s32 $0x0;
	s21 =	simm.s32 $0x200;
	[tilespmem:v11+s10+$0x0] =	vst.idx.msk vm7, v7  }
.LBB2_4:
0x75: {  	p0 =	sne.s32 s21, $0xFE00;
	[tilespmem:s20+$0x171F0] =	vst v5  }
0x76: {  	[tilespmem:s20+$0x3180] =	vst v5  }
0x77: {  	[tilespmem:s20+$0xF180] =	vst v5  }
0x78: {  	[tilespmem:s20+$0x3190] =	vst v5  }
0x79: {  	[tilespmem:s20+$0xF190] =	vst v5  }
0x7a: {  	[tilespmem:s20+$0x31A0] =	vst v5  }
0x7b: {  	[tilespmem:s20+$0xF1A0] =	vst v5  }
0x7c: {  	[tilespmem:s20+$0x31B0] =	vst v5  }
0x7d: {  	[tilespmem:s20+$0xF1B0] =	vst v5  }
0x7e: {  	[tilespmem:s20+$0x31C0] =	vst v5  }
0x7f: {  	[tilespmem:s20+$0xF1C0] =	vst v5  }
0x80: {  	[tilespmem:s20+$0x31D0] =	vst v5  }
0x81: {  	[tilespmem:s20+$0xF1D0] =	vst v5  }
0x82: {  	[tilespmem:s20+$0x31E0] =	vst v5  }
0x83: {  	[tilespmem:s20+$0xF1E0] =	vst v5  }
0x84: {  	[tilespmem:s20+$0x31F0] =	vst v5  }
0x85: {  	[tilespmem:s20+$0xF1F0] =	vst v5  }
0x86: {  	[tilespmem:s20+$0x7180] =	vst v5  }
0x87: {  	[tilespmem:s20+$0x13180] =	vst v5  }
0x88: {  	[tilespmem:s20+$0x7190] =	vst v5  }
0x89: {  	[tilespmem:s20+$0x13190] =	vst v5  }
0x8a: {  	[tilespmem:s20+$0x71A0] =	vst v5  }
0x8b: {  	[tilespmem:s20+$0x131A0] =	vst v5  }
0x8c: {  	[tilespmem:s20+$0x71B0] =	vst v5  }
0x8d: {  	[tilespmem:s20+$0x131B0] =	vst v5  }
0x8e: {  	[tilespmem:s20+$0x71C0] =	vst v5  }
0x8f: {  	[tilespmem:s20+$0x131C0] =	vst v5  }
0x90: {  	[tilespmem:s20+$0x71D0] =	vst v5  }
0x91: {  	[tilespmem:s20+$0x131D0] =	vst v5  }
0x92: {  	[tilespmem:s20+$0x71E0] =	vst v5  }
0x93: {  	[tilespmem:s20+$0x131E0] =	vst v5  }
0x94: {  	[tilespmem:s20+$0x71F0] =	vst v5  }
0x95: {  	[tilespmem:s20+$0x131F0] =	vst v5  }
0x96: {  	[tilespmem:s20+$0xB180] =	vst v5  }
0x97: {  	[tilespmem:s20+$0x17180] =	vst v5  }
0x98: {  	[tilespmem:s20+$0xB190] =	vst v5  }
0x99: {  	[tilespmem:s20+$0x17190] =	vst v5  }
0x9a: {  	[tilespmem:s20+$0xB1A0] =	vst v5  }
0x9b: {  	[tilespmem:s20+$0x171A0] =	vst v5  }
0x9c: {  	[tilespmem:s20+$0xB1B0] =	vst v5  }
0x9d: {  	[tilespmem:s20+$0x171B0] =	vst v5  }
0x9e: {  	[tilespmem:s20+$0xB1C0] =	vst v5  }
0x9f: {  	[tilespmem:s20+$0x171C0] =	vst v5  }
.Ltmp4:
0xa0: {  	[tilespmem:s20+$0xB1D0] =	vst v5;
	(pc) =	sbr.rel @p0 .LBB2_4-.Ltmp4, $4  }
0xa1: {  	[tilespmem:s20+$0x171D0] =	vst v5  }
0xa2: {  	[tilespmem:s20+$0xB1E0] =	vst v5  }
0xa3: {  	[tilespmem:s20+$0x171E0] =	vst v5  }
0xa4: {  	[tilespmem:s20+$0xB1F0] =	vst v5;
	s20 =	sshra.s32 s21, $0x2;
	s21 =	sadd.s32 $0x200, s21  }
.LBB2_5:
0xa5: {  	[tilespmem:s20+$0x171F0] =	vst v5  }
0xa6: {  	[tilespmem:s20+$0x3180] =	vst v5  }
0xa7: {  	[tilespmem:s20+$0xF180] =	vst v5  }
0xa8: {  	[tilespmem:s20+$0x3190] =	vst v5  }
0xa9: {  	[tilespmem:s20+$0xF190] =	vst v5  }
0xaa: {  	[tilespmem:s20+$0x31A0] =	vst v5  }
0xab: {  	[tilespmem:s20+$0xF1A0] =	vst v5  }
0xac: {  	[tilespmem:s20+$0x31B0] =	vst v5  }
0xad: {  	[tilespmem:s20+$0xF1B0] =	vst v5  }
0xae: {  	[tilespmem:s20+$0x31C0] =	vst v5  }
0xaf: {  	[tilespmem:s20+$0xF1C0] =	vst v5  }
0xb0: {  	[tilespmem:s20+$0x31D0] =	vst v5  }
0xb1: {  	[tilespmem:s20+$0xF1D0] =	vst v5  }
0xb2: {  	[tilespmem:s20+$0x31E0] =	vst v5  }
0xb3: {  	[tilespmem:s20+$0xF1E0] =	vst v5  }
0xb4: {  	[tilespmem:s20+$0x31F0] =	vst v5  }
0xb5: {  	[tilespmem:s20+$0xF1F0] =	vst v5  }
0xb6: {  	[tilespmem:s20+$0x7180] =	vst v5  }
0xb7: {  	[tilespmem:s20+$0x13180] =	vst v5  }
0xb8: {  	[tilespmem:s20+$0x7190] =	vst v5  }
0xb9: {  	[tilespmem:s20+$0x13190] =	vst v5  }
0xba: {  	[tilespmem:s20+$0x71A0] =	vst v5  }
0xbb: {  	[tilespmem:s20+$0x131A0] =	vst v5  }
0xbc: {  	[tilespmem:s20+$0x71B0] =	vst v5  }
0xbd: {  	[tilespmem:s20+$0x131B0] =	vst v5  }
0xbe: {  	[tilespmem:s20+$0x71C0] =	vst v5  }
0xbf: {  	[tilespmem:s20+$0x131C0] =	vst v5  }
0xc0: {  	[tilespmem:s20+$0x71D0] =	vst v5  }
0xc1: {  	[tilespmem:s20+$0x131D0] =	vst v5  }
0xc2: {  	[tilespmem:s20+$0x71E0] =	vst v5  }
0xc3: {  	[tilespmem:s20+$0x131E0] =	vst v5  }
0xc4: {  	[tilespmem:s20+$0x71F0] =	vst v5  }
0xc5: {  	[tilespmem:s20+$0x131F0] =	vst v5  }
0xc6: {  	[tilespmem:s20+$0xB180] =	vst v5  }
0xc7: {  	[tilespmem:s20+$0x17180] =	vst v5  }
0xc8: {  	[tilespmem:s20+$0xB190] =	vst v5  }
0xc9: {  	[tilespmem:s20+$0x17190] =	vst v5  }
0xca: {  	[tilespmem:s20+$0xB1A0] =	vst v5  }
0xcb: {  	[tilespmem:s20+$0x171A0] =	vst v5  }
0xcc: {  	[tilespmem:s20+$0xB1B0] =	vst v5  }
0xcd: {  	[tilespmem:s20+$0x171B0] =	vst v5  }
0xce: {  	[tilespmem:s20+$0xB1C0] =	vst v5  }
0xcf: {  	[tilespmem:s20+$0x171C0] =	vst v5  }
.Ltmp5:
0xd0: {  	[tilespmem:s20+$0xB1D0] =	vst v5;
	(pc) =	sbr.rel .LBB2_6-.Ltmp5, $4  }
0xd1: {  	[tilespmem:s20+$0x171D0] =	vst v5  }
0xd2: {  	[tilespmem:s20+$0xB1E0] =	vst v5  }
0xd3: {  	[tilespmem:s20+$0x171E0] =	vst v5  }
0xd4: {  	[tilespmem:s20+$0xB1F0] =	vst v5  }
.LBB2_22:
0xd5: {  	s19 =	sadd.s32 $0x1, s19  }
0xd6: {  	s20 =	smul.u32 $0xC000, s20;
	p0 =	sne.s32 s19, $0xE  }
.Ltmp6:
0xd7: {  	_ = 	snop;
	(pc) =	sbr.rel @!p0 .LBB2_23-.Ltmp6, $4  }
0xd8: {  	s20 =	sadd.s32 s5, s20  }
0xd9: {  	s20 =	sshrl.u32 s20, $0x3  }
0xda: {  	s20 =	sadd.s32 s1, s20  }
0xdb: {  	[hbm4b:s20+s3] =	stream.linear.scatter [tilespmem:s15], [sflag:$0x2], $0xC000, $0x38;
	[tilespmem:$0x1B180] =	vst v63  }
.LBB2_6:
0xdc: {  	s20 =	sshll.u32 s19, $0x1;
	p0 =	seq.s32 s19, $0x0  }
0xdd: {  	s22 =	sadd.s32 @!p0 $0xFFFFFFFE, s20  }
0xde: {  	v7 =	vmov @!p0 s22  }
0xdf: {  	s21 =	simm.s32 @!p0 $0x1  }
0xe0: {  	_ =	swait.ge @!p0 [sflag:s21], $0xC000  }
0xe1: {  	[sflag:s21] =	ssyncset.done @!p0 $0x0  }
0xe2: {  	[sflag:s21] =	ssyncadd.s32 @!p0 $0xFFFF4000;
	s21 =	simm.s32 @!p0 $0x3100  }
0xe3: {  	v8 =	vld.idx.msk @!p0 [tilespmem:v7+s21+$0x0], $0xffff;
	_ =	sdelay $0x4  }
0xe4: {  	v8 =	vxor.u32 @!p0 $0x80000000, v8  }
0xe5: {  	(xrf0) =	vmax.scan.msk.u32 @!p0 $0xffff, v8;
	_ =	sdelay $0x5  }
0xe6: {  	v8, _, _ =	vpop @!p0 (xrf0)  }
0xe7: {  	(v2sf) =	vpush @!p0 v8, $0xF;
	_ =	sdelay $0xe  }
0xe8: {  	s21 =	spop @!p0 (v2sf)  }
0xe9: {  	s21 =	sxor.u32 @!p0 $0x80000000, s21  }
0xea: {  	p1 =	slt.s32 @!p0 s21, $0x1  }
0xeb: {  	p1 =	por p0, p1  }
.Ltmp7:
0xec: {  	_ = 	snop;
	(pc) =	sbr.rel @p1 .LBB2_9-.Ltmp7, $1  }
0xed: {  	_ =	sdelay $0x3  }
0xee: {  	v9 =	vshll.u32 v7, $0x7;
	_ =	sdelay $0x1  }
0xef: {  	s22 =	smul.u32 $0xFFFFFFFD, s22;
	_ =	sdelay $0x1  }
0xf0: {  	v7 =	vor.u32 $0x1, v9;
	v8 =	vmov s22;
	s22 =	simm.s32 $0x0  }
.LBB2_8:
0xf1: {  	v9 =	vld.idx.msk [tilespmem:v9+s11+$0x0], $0xffff;
	_ =	sdelay $0x4  }
0xf2: {  	v9 =	vshll.u32 v9, $0x4  }
0xf3: {  	v9 =	vor.u32 v6, v9;
	_ =	sdelay $0x4  }
0xf4: {  	v9 =	vld.idx.msk [tilespmem:v9+s12+$0x0], $0xffff;
	_ =	sdelay $0x4  }
0xf5: {  	v10 =	vshra.s32 v9, $0xE  }
0xf6: {  	v10 =	vadd.s32 v8, v10  }
0xf7: {  	v9 =	vand.u32 $0x3FFF, v9;
	vm7 =	vlt.u32 v10, $0x3;
	v10 =	vshll.u32 v10, $0xE  }
0xf8: {  	v10 =	vor.u32 v9, v10;
	v9 =	vadd.s32 s22, v7;
	s22 =	sadd.s32 $0x1, s22  }
0xf9: {  	p1 =	sne.s32 s21, s22  }
.Ltmp8:
0xfa: {  	_ = 	snop;
	(pc) =	sbr.rel @p1 .LBB2_8-.Ltmp8, $2  }
0xfb: {  	_ =	sdelay $0x2  }
0xfc: {  	[tilespmem:v10+s13+$0x0] =	vst.idx.msk vm7, v5  }
.LBB2_9:
0xfd: {  	v7 =	vmov s20;
	_ =	sdelay $0x4  }
0xfe: {  	v8 =	vld.idx.msk [tilespmem:v7+s10+$0x0], $0xffff;
	_ =	sdelay $0x4  }
0xff: {  	v8 =	vxor.u32 $0x80000000, v8  }
0x100: {  	(xrf0) =	vmax.scan.msk.u32 $0xffff, v8;
	_ =	sdelay $0x5  }
0x101: {  	v8, _, _ =	vpop (xrf0)  }
0x102: {  	(v2sf) =	vpush v8, $0xF;
	_ =	sdelay $0xe  }
0x103: {  	s21 =	spop (v2sf)  }
0x104: {  	s21 =	sxor.u32 $0x80000000, s21  }
0x105: {  	p1 =	slt.s32 s21, $0x1  }
.Ltmp9:
0x106: {  	_ = 	snop;
	(pc) =	sbr.rel @p1 .LBB2_12-.Ltmp9, $1  }
0x107: {  	_ =	sdelay $0x3  }
0x108: {  	v9 =	vshll.u32 v7, $0x7;
	_ =	sdelay $0x1  }
0x109: {  	s22 =	smul.u32 $0xFFFFFFFA, s19;
	_ =	sdelay $0x1  }
0x10a: {  	v7 =	vor.u32 $0x1, v9;
	v8 =	vmov s22;
	s22 =	simm.s32 $0x0  }
.LBB2_11:
0x10b: {  	v9 =	vld.idx.msk [tilespmem:v9+s11+$0x0], $0xffff;
	_ =	sdelay $0x4  }
0x10c: {  	v9 =	vshll.u32 v9, $0x4  }
0x10d: {  	v9 =	vor.u32 v6, v9;
	_ =	sdelay $0x4  }
0x10e: {  	v10 =	vld.idx.msk [tilespmem:v9+s12+$0x0], $0xffff;
	_ =	sdelay $0x4  }
0x10f: {  	v11 =	vshra.s32 v10, $0xE  }
0x110: {  	v12 =	vld.idx.msk [tilespmem:v9+s14+$0x0], $0xffff;
	v9 =	vadd.s32 s22, v7;
	v11 =	vadd.s32 v8, v11  }
0x111: {  	s22 =	sadd.s32 $0x1, s22;
	v10 =	vand.u32 $0x3FFF, v10;
	vm7 =	vlt.u32 v11, $0x3;
	v11 =	vshll.u32 v11, $0xE  }
0x112: {  	p1 =	sne.s32 s21, s22;
	v10 =	vor.u32 v10, v11  }
.Ltmp10:
0x113: {  	_ = 	snop;
	(pc) =	sbr.rel @p1 .LBB2_11-.Ltmp10, $2  }
0x114: {  	_ =	sdelay $0x2  }
0x115: {  	[tilespmem:v10+s13+$0x0] =	vst.idx.add.f32.msk vm7, v12  }
.LBB2_12:
0x116: {  	p1 =	sne.s32 s19, $0xD  }
.Ltmp11:
0x117: {  	_ = 	snop;
	(pc) =	sbr.rel @p1 .LBB2_14-.Ltmp11, $2  }
0x118: {  	_ =	sdelay $0x2  }
0x119: {  	s21 =	simm.s32 $0x0  }
.LBB2_13:
0x11a: {  	s22 =	sshra.s32 s21, $0x2  }
0x11b: {  	v7 =	vld [tilespmem:s22+$0x1300];
	_ =	sdelay $0x4  }
0x11c: {  	v8 =	vshra.s32 v7, $0xE  }
0x11d: {  	v8 =	vadd.s32 $0xFFFFFFB2, v8  }
0x11e: {  	vm7 =	vlt.u32 v8, $0x3  }
0x11f: {  	v7 =	vadd.s32 $0xFFEC8000, v7;
	v8 =	vld [tilespmem:s22+$0x1B00];
	_ =	sdelay $0x4  }
0x120: {  	[tilespmem:v7+s13+$0x0] =	vst.idx.add.f32.msk vm7, v8  }
0x121: {  	v7 =	vld [tilespmem:s22+$0x1310];
	_ =	sdelay $0x4  }
0x122: {  	v8 =	vshra.s32 v7, $0xE  }
0x123: {  	v8 =	vadd.s32 $0xFFFFFFB2, v8  }
0x124: {  	vm7 =	vlt.u32 v8, $0x3  }
0x125: {  	v7 =	vadd.s32 $0xFFEC8000, v7;
	v8 =	vld [tilespmem:s22+$0x1B10];
	_ =	sdelay $0x4  }
0x126: {  	[tilespmem:v7+s13+$0x0] =	vst.idx.add.f32.msk vm7, v8  }
0x127: {  	v7 =	vld [tilespmem:s22+$0x1320];
	_ =	sdelay $0x4  }
0x128: {  	v8 =	vshra.s32 v7, $0xE  }
0x129: {  	v8 =	vadd.s32 $0xFFFFFFB2, v8  }
0x12a: {  	vm7 =	vlt.u32 v8, $0x3  }
0x12b: {  	v7 =	vadd.s32 $0xFFEC8000, v7;
	v8 =	vld [tilespmem:s22+$0x1B20];
	_ =	sdelay $0x4  }
0x12c: {  	[tilespmem:v7+s13+$0x0] =	vst.idx.add.f32.msk vm7, v8  }
0x12d: {  	v7 =	vld [tilespmem:s22+$0x1330];
	_ =	sdelay $0x4  }
0x12e: {  	v8 =	vshra.s32 v7, $0xE  }
0x12f: {  	v8 =	vadd.s32 $0xFFFFFFB2, v8  }
0x130: {  	vm7 =	vlt.u32 v8, $0x3  }
0x131: {  	p2 =	sne.s32 s21, $0x1F00;
	v7 =	vadd.s32 $0xFFEC8000, v7;
	v8 =	vld [tilespmem:s22+$0x1B30]  }
.Ltmp12:
0x132: {  	_ = 	snop;
	(pc) =	sbr.rel @p2 .LBB2_13-.Ltmp12, $2  }
0x133: {  	_ =	sdelay $0x2  }
0x134: {  	s21 =	sadd.s32 $0x100, s21;
	[tilespmem:v7+s13+$0x0] =	vst.idx.add.f32.msk vm7, v8  }
.LBB2_14:
0x135: {  	s21 =	smul.u32 $0x18000, s19;
	_ =	sdelay $0x1  }
0x136: {  	s21 =	sadd.s32 s5, s21  }
0x137: {  	s21 =	sshrl.u32 s21, $0x3  }
0x138: {  	s22 =	sadd.s32 @!p0 $0xFFFFFFFF, s20;
	s21 =	sadd.s32 s1, s21  }
0x139: {  	v7 =	vmov @!p0 s22;
	[hbm4b:s21+s3] =	stream.linear.scatter [tilespmem:s13], [sflag:$0x1], $0xC000, $0x38;
	[tilespmem:$0x1B180] =	vst v63  }
0x13a: {  	s21 =	simm.s32 @!p0 $0x2  }
0x13b: {  	_ =	swait.ge @!p0 [sflag:s21], $0xC000  }
0x13c: {  	[sflag:s21] =	ssyncset.done @!p0 $0x0  }
0x13d: {  	[sflag:s21] =	ssyncadd.s32 @!p0 $0xFFFF4000;
	s21 =	simm.s32 @!p0 $0x3100  }
0x13e: {  	v8 =	vld.idx.msk @!p0 [tilespmem:v7+s21+$0x0], $0xffff;
	_ =	sdelay $0x4  }
0x13f: {  	v8 =	vxor.u32 @!p0 $0x80000000, v8  }
0x140: {  	(xrf0) =	vmax.scan.msk.u32 @!p0 $0xffff, v8;
	_ =	sdelay $0x5  }
0x141: {  	v8, _, _ =	vpop @!p0 (xrf0)  }
0x142: {  	(v2sf) =	vpush @!p0 v8, $0xF;
	_ =	sdelay $0xe  }
0x143: {  	s21 =	spop @!p0 (v2sf)  }
0x144: {  	s21 =	sxor.u32 @!p0 $0x80000000, s21  }
0x145: {  	p2 =	slt.s32 @!p0 s21, $0x1  }
0x146: {  	p0 =	por p0, p2  }
.Ltmp13:
0x147: {  	_ = 	snop;
	(pc) =	sbr.rel @p0 .LBB2_17-.Ltmp13, $1  }
0x148: {  	_ =	sdelay $0x3  }
0x149: {  	v9 =	vshll.u32 v7, $0x7;
	_ =	sdelay $0x1  }
0x14a: {  	s22 =	smul.u32 $0xFFFFFFFD, s22;
	_ =	sdelay $0x1  }
0x14b: {  	v7 =	vor.u32 $0x1, v9;
	v8 =	vmov s22;
	s22 =	simm.s32 $0x0  }
.LBB2_16:
0x14c: {  	v9 =	vld.idx.msk [tilespmem:v9+s11+$0x0], $0xffff;
	_ =	sdelay $0x4  }
0x14d: {  	v9 =	vshll.u32 v9, $0x4  }
0x14e: {  	v9 =	vor.u32 v6, v9;
	_ =	sdelay $0x4  }
0x14f: {  	v9 =	vld.idx.msk [tilespmem:v9+s12+$0x0], $0xffff;
	_ =	sdelay $0x4  }
0x150: {  	v10 =	vshra.s32 v9, $0xE  }
0x151: {  	v10 =	vadd.s32 v8, v10  }
0x152: {  	v9 =	vand.u32 $0x3FFF, v9;
	vm7 =	vlt.u32 v10, $0x3;
	v10 =	vshll.u32 v10, $0xE  }
0x153: {  	v10 =	vor.u32 v9, v10;
	v9 =	vadd.s32 s22, v7;
	s22 =	sadd.s32 $0x1, s22  }
0x154: {  	p0 =	sne.s32 s21, s22  }
.Ltmp14:
0x155: {  	_ = 	snop;
	(pc) =	sbr.rel @p0 .LBB2_16-.Ltmp14, $2  }
0x156: {  	_ =	sdelay $0x2  }
0x157: {  	[tilespmem:v10+s15+$0x0] =	vst.idx.msk vm7, v5  }
.LBB2_17:
0x158: {  	s20 =	sor.u32 $0x1, s20  }
0x159: {  	v7 =	vmov s20;
	_ =	sdelay $0x4  }
0x15a: {  	v8 =	vld.idx.msk [tilespmem:v7+s10+$0x0], $0xffff;
	_ =	sdelay $0x4  }
0x15b: {  	v8 =	vxor.u32 $0x80000000, v8  }
0x15c: {  	(xrf0) =	vmax.scan.msk.u32 $0xffff, v8;
	_ =	sdelay $0x5  }
0x15d: {  	v8, _, _ =	vpop (xrf0)  }
0x15e: {  	(v2sf) =	vpush v8, $0xF;
	_ =	sdelay $0xe  }
0x15f: {  	s21 =	spop (v2sf)  }
0x160: {  	s21 =	sxor.u32 $0x80000000, s21  }
0x161: {  	p0 =	slt.s32 s21, $0x1  }
.Ltmp15:
0x162: {  	_ = 	snop;
	(pc) =	sbr.rel @p0 .LBB2_20-.Ltmp15, $1  }
0x163: {  	_ =	sdelay $0x3  }
0x164: {  	v9 =	vshll.u32 v7, $0x7;
	_ =	sdelay $0x1  }
0x165: {  	s22 =	smul.u32 $0xFFFFFFFD, s20;
	_ =	sdelay $0x1  }
0x166: {  	v7 =	vor.u32 $0x1, v9;
	v8 =	vmov s22;
	s22 =	simm.s32 $0x0  }
.LBB2_19:
0x167: {  	v9 =	vld.idx.msk [tilespmem:v9+s11+$0x0], $0xffff;
	_ =	sdelay $0x4  }
0x168: {  	v9 =	vshll.u32 v9, $0x4  }
0x169: {  	v9 =	vor.u32 v6, v9;
	_ =	sdelay $0x4  }
0x16a: {  	v10 =	vld.idx.msk [tilespmem:v9+s12+$0x0], $0xffff;
	_ =	sdelay $0x4  }
0x16b: {  	v11 =	vshra.s32 v10, $0xE  }
0x16c: {  	v12 =	vld.idx.msk [tilespmem:v9+s14+$0x0], $0xffff;
	v9 =	vadd.s32 s22, v7;
	v11 =	vadd.s32 v8, v11  }
0x16d: {  	s22 =	sadd.s32 $0x1, s22;
	v10 =	vand.u32 $0x3FFF, v10;
	vm7 =	vlt.u32 v11, $0x3;
	v11 =	vshll.u32 v11, $0xE  }
0x16e: {  	p0 =	sne.s32 s21, s22;
	v10 =	vor.u32 v10, v11  }
.Ltmp16:
0x16f: {  	_ = 	snop;
	(pc) =	sbr.rel @p0 .LBB2_19-.Ltmp16, $2  }
0x170: {  	_ =	sdelay $0x2  }
0x171: {  	[tilespmem:v10+s15+$0x0] =	vst.idx.add.f32.msk vm7, v12  }
.LBB2_20:
.Ltmp17:
0x172: {  	(pc) =	sbr.rel @p1 .LBB2_22-.Ltmp17, $2  }
0x173: {  	_ =	sdelay $0x2  }
0x174: {  	s21 =	simm.s32 $0x0  }
.LBB2_21:
0x175: {  	s22 =	sshra.s32 s21, $0x2  }
0x176: {  	v7 =	vld [tilespmem:s22+$0x1300];
	_ =	sdelay $0x4  }
0x177: {  	v8 =	vshra.s32 v7, $0xE  }
0x178: {  	v8 =	vadd.s32 $0xFFFFFFAF, v8  }
0x179: {  	vm7 =	vlt.u32 v8, $0x3  }
0x17a: {  	v7 =	vadd.s32 $0xFFEBC000, v7;
	v8 =	vld [tilespmem:s22+$0x1B00];
	_ =	sdelay $0x4  }
0x17b: {  	[tilespmem:v7+s15+$0x0] =	vst.idx.add.f32.msk vm7, v8  }
0x17c: {  	v7 =	vld [tilespmem:s22+$0x1310];
	_ =	sdelay $0x4  }
0x17d: {  	v8 =	vshra.s32 v7, $0xE  }
0x17e: {  	v8 =	vadd.s32 $0xFFFFFFAF, v8  }
0x17f: {  	vm7 =	vlt.u32 v8, $0x3  }
0x180: {  	v7 =	vadd.s32 $0xFFEBC000, v7;
	v8 =	vld [tilespmem:s22+$0x1B10];
	_ =	sdelay $0x4  }
0x181: {  	[tilespmem:v7+s15+$0x0] =	vst.idx.add.f32.msk vm7, v8  }
0x182: {  	v7 =	vld [tilespmem:s22+$0x1320];
	_ =	sdelay $0x4  }
0x183: {  	v8 =	vshra.s32 v7, $0xE  }
0x184: {  	v8 =	vadd.s32 $0xFFFFFFAF, v8  }
0x185: {  	vm7 =	vlt.u32 v8, $0x3  }
0x186: {  	v7 =	vadd.s32 $0xFFEBC000, v7;
	v8 =	vld [tilespmem:s22+$0x1B20];
	_ =	sdelay $0x4  }
0x187: {  	[tilespmem:v7+s15+$0x0] =	vst.idx.add.f32.msk vm7, v8  }
0x188: {  	v7 =	vld [tilespmem:s22+$0x1330];
	_ =	sdelay $0x4  }
0x189: {  	v8 =	vshra.s32 v7, $0xE  }
0x18a: {  	v8 =	vadd.s32 $0xFFFFFFAF, v8  }
0x18b: {  	vm7 =	vlt.u32 v8, $0x3  }
0x18c: {  	p0 =	sne.s32 s21, $0x1F00;
	v7 =	vadd.s32 $0xFFEBC000, v7;
	v8 =	vld [tilespmem:s22+$0x1B30]  }
.Ltmp18:
0x18d: {  	_ = 	snop;
	(pc) =	sbr.rel @p0 .LBB2_21-.Ltmp18, $2  }
0x18e: {  	_ =	sdelay $0x2  }
0x18f: {  	s21 =	sadd.s32 $0x100, s21;
	[tilespmem:v7+s15+$0x0] =	vst.idx.add.f32.msk vm7, v8  }
.Ltmp19:
0x190: {  	_ = 	snop;
	(pc) =	sbr.rel .LBB2_22-.Ltmp19, $1  }
0x191: {  	_ =	sdelay $0x3  }
.LBB2_24:
0x192: {  	_ =	sfence.sel $0x180000  }
0x193: {  	[bflag:$0x0] =	sbarrier.arrive $0xFFFF  }
0x194: {  	p0 =	sne.s32 s2, $0x0;
	_ =	strace $0x90000047  }
0x195: {  	s0 =	sadd.s32 @!p0 $0x100000, s0;
	[bflag:$0x2] =	sbarrier.arrive $0xFFFF  }
0x196: {  	[sflag:s0] =	ssyncadd.tile.s32 @!p0 $0x1;
	_ =	shalt  }
.Lfunc_end2:
_tile_overlayer_lowered:
.L_overlay_start_2:
0x197: {  	(tag) =	ssettag $0x2  }
0x198: {  	s0 =	rddreg [dreg:$0x0];
	s2 =	stileid.u32  }
0x199: {  	s1 =	rddreg [dreg:$0x1];
	p0 =	sne.s32 s2, $0x0  }
0x19a: {  	s3 =	rddreg [dreg:$0x2];
	[bflag:$0x3] =	sbarrier.arrive $0xFFFF;
	s2 =	simm.s32 @!p0 $0x1C03  }
0x19b: {  	[timem:s3], [sflag:s2] =	dma.local @!p0 [hbm:s0], s1  }
0x19c: {  	s0 =	simm.s32 @!p0 $0x3  }
0x19d: {  	_ =	swait.ge @!p0 [sflag:s0], s1  }
0x19e: {  	s1 =	ssub.s32 @!p0 $0x0, s1;
	[sflag:s0] =	ssyncset.done @!p0 $0x0  }
0x19f: {  	[sflag:s0] =	ssyncadd.s32 @!p0 s1  }
0x1a0: {  	[bflag:$0x3] =	sbarrier.arrive $0xFFFF  }
0x1a1: {  	_ =	shalt  }

</sc_bundles>
